<compile_context>
chip_gen: v7x
topology: tpu7x:2x2x1
jax: 0.10.2.dev20260603
libtpu: 0.0.44.dev20260713+nightly
codegen_flags: <defaults>
</compile_context>

<pallas_src>
import jax
import jax.numpy as jnp
from jax import lax
from jax.experimental import pallas as pl
from jax.experimental.pallas import tpu as pltpu
from jax.experimental.pallas import tpu_sc as plsc

N = 100000
G = 64
L = 16
NW = 32
CHUNK = 3200
TBASE = (NW - 1) * CHUNK
TREAL = N - TBASE
TPAD = 896


def _sc_body(e_hbm, b_hbm, mt_hbm, at_hbm, sh_hbm, sc_hbm, out_hbm,
             e_v, b_v, at_v, o_v, mt_v, sh_t, sc_t, sem):
    cid = lax.axis_index("c")
    sid = lax.axis_index("s")
    wid = sid * 2 + cid
    base = wid * CHUNK
    is_last = wid == NW - 1

    tab_cps = (
        pltpu.async_copy(mt_hbm, mt_v, sem),
        pltpu.async_copy(sh_hbm, sh_t, sem),
        pltpu.async_copy(sc_hbm, sc_t, sem),
    )

    def gathers(b, a):
        m = plsc.load_gather(mt_v, [b])
        sh = plsc.load_gather(sh_t, [m, a])
        sc = plsc.load_gather(sc_t, [m, a])
        return sh, sc

    @pl.when(jnp.logical_not(is_last))
    def _main_path():
        cps = (
            pltpu.async_copy(e_hbm.at[0, pl.ds(base, CHUNK)], e_v, sem),
            pltpu.async_copy(b_hbm.at[pl.ds(base, CHUNK)],
                             b_v.at[pl.ds(0, CHUNK)], sem),
            pltpu.async_copy(at_hbm.at[pl.ds(base, CHUNK)],
                             at_v.at[pl.ds(0, CHUNK)], sem),
        )
        for cp in tab_cps + cps:
            cp.wait()

        @plsc.parallel_loop(0, CHUNK // L, 1, unroll=10)
        def _l(i):
            off = i * L
            sh, sc = gathers(b_v[pl.ds(off, L)], at_v[pl.ds(off, L)])
            o_v[pl.ds(off, L)] = e_v[pl.ds(off, L)] * sc + sh

        pltpu.sync_copy(o_v, out_hbm.at[0, pl.ds(base, CHUNK)])

    @pl.when(is_last)
    def _tail_path():
        cps = (
            pltpu.async_copy(e_hbm.at[0, pl.ds(pl.multiple_of(TBASE, 128),
                                               TPAD)],
                             e_v.at[pl.ds(0, TPAD)], sem),
            pltpu.async_copy(b_hbm.at[pl.ds(TBASE, TREAL)],
                             b_v.at[pl.ds(0, TREAL)], sem),
            pltpu.async_copy(at_hbm.at[pl.ds(TBASE, TREAL)],
                             at_v.at[pl.ds(0, TREAL)], sem),
        )
        for cp in tab_cps + cps:
            cp.wait()

        @plsc.parallel_loop(0, TPAD // L, 1, unroll=7)
        def _l(i):
            off = i * L
            b = b_v[pl.ds(off, L)] & (G - 1)
            a = at_v[pl.ds(off, L)] & 15
            sh, sc = gathers(b, a)
            o_v[pl.ds(off, L)] = e_v[pl.ds(off, L)] * sc + sh

        pltpu.sync_copy(o_v.at[pl.ds(0, TPAD)],
                        out_hbm.at[0, pl.ds(pl.multiple_of(TBASE, 128),
                                            TPAD)])


_mesh = plsc.VectorSubcoreMesh(core_axis_name="c", subcore_axis_name="s")

_sc_call = pl.kernel(
    _sc_body,
    mesh=_mesh,
    out_type=jax.ShapeDtypeStruct((1, N), jnp.float32),
    compiler_params=pltpu.CompilerParams(needs_layout_passes=False),
    scratch_types=[
        pltpu.VMEM((CHUNK,), jnp.float32),
        pltpu.VMEM((CHUNK,), jnp.int32),
        pltpu.VMEM((CHUNK,), jnp.int32),
        pltpu.VMEM((CHUNK,), jnp.float32),
        pltpu.VMEM((G,), jnp.int32),
        pltpu.VMEM((4, 16), jnp.float32),
        pltpu.VMEM((4, 16), jnp.float32),
        pltpu.SemaphoreType.DMA,
    ],
)


def kernel(scaled_atomic_energy, batch, modal_type, atom_type, shift, scale):
    e = scaled_atomic_energy.reshape(1, N)
    out = _sc_call(e, batch, modal_type, atom_type, shift, scale)
    return out.reshape(N, 1)

# --- scband reference (transcript-rebuilt; emitter-appended) ---
"""Pipeline reference for scband-modal-wise-rescale-16037407883596 (READ-ONLY COPY).

The authoritative reference and input builder live on the scoring server;
editing this copy changes nothing except your own understanding.
"""

import jax, jax.numpy as jnp
import numpy as np

SHIFT = np.array([[-1.0, -1.01, -1.02, -1.03, -1.04, -1.05, -1.06, -1.07, -1.08, -1.09, -1.1, -1.11, -1.12, -1.13, -1.14, -1.15], [-1.1, -1.11, -1.12, -1.13, -1.14, -1.15, -1.16, -1.17, -1.18, -1.19, -1.2, -1.21, -1.22, -1.23, -1.24, -1.25], [-1.2, -1.21, -1.22, -1.23, -1.24, -1.25, -1.26, -1.27, -1.28, -1.29, -1.3, -1.31, -1.32, -1.33, -1.34, -1.35], [-1.3, -1.31, -1.32, -1.33, -1.34, -1.35, -1.36, -1.37, -1.38, -1.39, -1.4, -1.41, -1.42, -1.43, -1.44, -1.45]], dtype=np.float32)
SCALE = np.array([[1.0, 1.002, 1.004, 1.006, 1.008, 1.01, 1.012, 1.014, 1.016, 1.018, 1.02, 1.022, 1.024, 1.026, 1.028, 1.03], [1.05, 1.052, 1.054, 1.056, 1.058, 1.06, 1.062, 1.064, 1.066, 1.068, 1.07, 1.072, 1.074, 1.076, 1.078, 1.08], [1.1, 1.102, 1.104, 1.106, 1.108, 1.11, 1.112, 1.114, 1.116, 1.118, 1.12, 1.122, 1.124, 1.126, 1.128, 1.13], [1.15, 1.152, 1.154, 1.156, 1.158, 1.16, 1.162, 1.164, 1.166, 1.168, 1.17, 1.172, 1.174, 1.176, 1.178, 1.18]], dtype=np.float32)


def setup_inputs(seed: int = 0) -> dict:
    key = jax.random.key(seed)
    N = 100000
    G = 64
    M = 4
    S = 16
    k1, k2, k3, k4 = jax.random.split(key, 4)
    scaled_atomic_energy = jax.random.normal(k1, (N, 1), dtype=jnp.float32)
    batch = jnp.sort(jax.random.randint(k2, (N,), 0, G, dtype=jnp.int64) if jax.config.read('jax_enable_x64') else jax.random.randint(k2, (N,), 0, G)).astype(jnp.int32)
    modal_type = jax.random.randint(k3, (G,), 0, M).astype(jnp.int32)
    atom_type = jax.random.randint(k4, (N,), 0, S).astype(jnp.int32)
    return {
        'scaled_atomic_energy': scaled_atomic_energy,
        'batch': batch,
        'modal_type': modal_type,
        'atom_type': atom_type,
        'shift': jnp.asarray(SHIFT),
        'scale': jnp.asarray(SCALE),
    }


def reference(scaled_atomic_energy, batch, modal_type, atom_type, shift, scale):
    # modal index per atom: gather graph-level modal ids through the per-atom batch index
    modal_indices = jnp.take(modal_type, batch, axis=0)
    # modal-wise + species-wise shift/scale gathers
    sh = shift[modal_indices, atom_type]
    sc = scale[modal_indices, atom_type]
    atomic_energy = scaled_atomic_energy * sc.reshape(-1, 1) + sh.reshape(-1, 1)
    return atomic_energy

if __name__ == "__main__":
    import jax
    _d = setup_inputs()
    print(jax.jit(kernel)(*tuple(_d.values())))

</pallas_src>

<mosaic_0001>
#map = affine_map<(d0, d1) -> (0, 0)>
#map1 = affine_map<(d0, d1) -> (0)>
module attributes {stable_mosaic.version = 14 : i64} {
  func.func @_sc_body(%arg0: i32, %arg1: i32, %arg2: memref<1x100000xf32, #tpu.memory_space<hbm>>, %arg3: memref<100000xi32, #tpu.memory_space<hbm>>, %arg4: memref<64xi32, #tpu.memory_space<hbm>>, %arg5: memref<100000xi32, #tpu.memory_space<hbm>>, %arg6: memref<4x16xf32, #tpu.memory_space<hbm>>, %arg7: memref<4x16xf32, #tpu.memory_space<hbm>>, %arg8: memref<1x100000xf32, #tpu.memory_space<hbm>>, %arg9: memref<3200xf32, #tpu.memory_space<vmem>>, %arg10: memref<3200xi32, #tpu.memory_space<vmem>>, %arg11: memref<3200xi32, #tpu.memory_space<vmem>>, %arg12: memref<3200xf32, #tpu.memory_space<vmem>>, %arg13: memref<64xi32, #tpu.memory_space<vmem>>, %arg14: memref<4x16xf32, #tpu.memory_space<vmem>>, %arg15: memref<4x16xf32, #tpu.memory_space<vmem>>, %arg16: memref<!tpu.dma_semaphore, #tpu.memory_space<semaphore_mem>>) attributes {dimension_semantics = [#tpu.dimension_semantics<core_parallel>, #tpu.dimension_semantics<subcore_parallel>], iteration_bounds = array<i64: 2, 16>, scalar_prefetch = 0 : i64, scratch_operands = 8 : i64, tpu.core_type = #tpu.core_type<sc_vector_subcore>, window_params = [{transform_indices = #map}, {transform_indices = #map1}, {transform_indices = #map1}, {transform_indices = #map1}, {transform_indices = #map}, {transform_indices = #map}, {transform_indices = #map}]} {
    %mul3A = arith.constant 2 : i32
    %mul3A_0 = arith.muli %arg1, %mul3A : i32
    %add3A = arith.addi %mul3A_0, %arg0 : i32
    %mul3A_1 = arith.constant 3200 : i32
    %mul3A_2 = arith.muli %add3A, %mul3A_1 : i32
    %eq3A = arith.constant 31 : i32
    %eq3A_3 = arith.cmpi eq, %add3A, %eq3A : i32
    tpu.enqueue_dma source(%arg4 : memref<64xi32, #tpu.memory_space<hbm>>) target(%arg13 : memref<64xi32, #tpu.memory_space<vmem>>) target_semaphore(%arg16 : memref<!tpu.dma_semaphore, #tpu.memory_space<semaphore_mem>>)
    tpu.enqueue_dma source(%arg6 : memref<4x16xf32, #tpu.memory_space<hbm>>) target(%arg14 : memref<4x16xf32, #tpu.memory_space<vmem>>) target_semaphore(%arg16 : memref<!tpu.dma_semaphore, #tpu.memory_space<semaphore_mem>>)
    tpu.enqueue_dma source(%arg7 : memref<4x16xf32, #tpu.memory_space<hbm>>) target(%arg15 : memref<4x16xf32, #tpu.memory_space<vmem>>) target_semaphore(%arg16 : memref<!tpu.dma_semaphore, #tpu.memory_space<semaphore_mem>>)
    %not3A = arith.constant true
    %not3A_4 = arith.xori %eq3A_3, %not3A : i1
    %convert_element_type3A = arith.extui %not3A_4 : i1 to i32
    %cond3A = arith.constant 0 : i32
    %cond3A_5 = arith.cmpi ne, %convert_element_type3A, %cond3A : i32
    scf.if %cond3A_5 {
      %dma_start3A = arith.constant 0 : i32
      %dma_start3A_9 = tpu.memref_slice %arg2[%dma_start3A, %mul3A_2] : memref<1x100000xf32, #tpu.memory_space<hbm>> -> memref<1x3200xf32, #tpu.memory_space<hbm>>
      %dma_start3A_10 = tpu.memref_squeeze %dma_start3A_9 : memref<1x3200xf32, #tpu.memory_space<hbm>> -> memref<3200xf32, #tpu.memory_space<hbm>>
      %dma_start3A_11 = tpu.memref_slice %arg2[%dma_start3A, %mul3A_2] : memref<1x100000xf32, #tpu.memory_space<hbm>> -> memref<1x3200xf32, #tpu.memory_space<hbm>>
      %dma_start3A_12 = tpu.memref_squeeze %dma_start3A_11 : memref<1x3200xf32, #tpu.memory_space<hbm>> -> memref<3200xf32, #tpu.memory_space<hbm>>
      tpu.enqueue_dma source(%dma_start3A_12 : memref<3200xf32, #tpu.memory_space<hbm>>) target(%arg9 : memref<3200xf32, #tpu.memory_space<vmem>>) target_semaphore(%arg16 : memref<!tpu.dma_semaphore, #tpu.memory_space<semaphore_mem>>)
      %dma_start3A_13 = arith.constant 0 : i32
      %dma_start3A_14 = tpu.memref_slice %arg10[%dma_start3A_13] : memref<3200xi32, #tpu.memory_space<vmem>> -> memref<3200xi32, #tpu.memory_space<vmem>>
      %dma_start3A_15 = tpu.memref_slice %arg3[%mul3A_2] : memref<100000xi32, #tpu.memory_space<hbm>> -> memref<3200xi32, #tpu.memory_space<hbm>>
      %dma_start3A_16 = arith.constant 0 : i32
      %dma_start3A_17 = tpu.memref_slice %arg10[%dma_start3A_16] : memref<3200xi32, #tpu.memory_space<vmem>> -> memref<3200xi32, #tpu.memory_space<vmem>>
      %dma_start3A_18 = tpu.memref_slice %arg3[%mul3A_2] : memref<100000xi32, #tpu.memory_space<hbm>> -> memref<3200xi32, #tpu.memory_space<hbm>>
      tpu.enqueue_dma source(%dma_start3A_18 : memref<3200xi32, #tpu.memory_space<hbm>>) target(%dma_start3A_17 : memref<3200xi32, #tpu.memory_space<vmem>>) target_semaphore(%arg16 : memref<!tpu.dma_semaphore, #tpu.memory_space<semaphore_mem>>)
      %dma_start3A_19 = arith.constant 0 : i32
      %dma_start3A_20 = tpu.memref_slice %arg11[%dma_start3A_19] : memref<3200xi32, #tpu.memory_space<vmem>> -> memref<3200xi32, #tpu.memory_space<vmem>>
      %dma_start3A_21 = tpu.memref_slice %arg5[%mul3A_2] : memref<100000xi32, #tpu.memory_space<hbm>> -> memref<3200xi32, #tpu.memory_space<hbm>>
      %dma_start3A_22 = arith.constant 0 : i32
      %dma_start3A_23 = tpu.memref_slice %arg11[%dma_start3A_22] : memref<3200xi32, #tpu.memory_space<vmem>> -> memref<3200xi32, #tpu.memory_space<vmem>>
      %dma_start3A_24 = tpu.memref_slice %arg5[%mul3A_2] : memref<100000xi32, #tpu.memory_space<hbm>> -> memref<3200xi32, #tpu.memory_space<hbm>>
      tpu.enqueue_dma source(%dma_start3A_24 : memref<3200xi32, #tpu.memory_space<hbm>>) target(%dma_start3A_23 : memref<3200xi32, #tpu.memory_space<vmem>>) target_semaphore(%arg16 : memref<!tpu.dma_semaphore, #tpu.memory_space<semaphore_mem>>)
      tpu.wait_dma2 semaphore(%arg16 : memref<!tpu.dma_semaphore, #tpu.memory_space<semaphore_mem>>) src(%arg4 : memref<64xi32, #tpu.memory_space<hbm>>) dst(%arg13 : memref<64xi32, #tpu.memory_space<vmem>>)
      tpu.wait_dma2 semaphore(%arg16 : memref<!tpu.dma_semaphore, #tpu.memory_space<semaphore_mem>>) src(%arg6 : memref<4x16xf32, #tpu.memory_space<hbm>>) dst(%arg14 : memref<4x16xf32, #tpu.memory_space<vmem>>)
      tpu.wait_dma2 semaphore(%arg16 : memref<!tpu.dma_semaphore, #tpu.memory_space<semaphore_mem>>) src(%arg7 : memref<4x16xf32, #tpu.memory_space<hbm>>) dst(%arg15 : memref<4x16xf32, #tpu.memory_space<vmem>>)
      %dma_wait3A = arith.constant 0 : i32
      %dma_wait3A_25 = tpu.memref_slice %arg2[%dma_wait3A, %mul3A_2] : memref<1x100000xf32, #tpu.memory_space<hbm>> -> memref<1x3200xf32, #tpu.memory_space<hbm>>
      %dma_wait3A_26 = tpu.memref_squeeze %dma_wait3A_25 : memref<1x3200xf32, #tpu.memory_space<hbm>> -> memref<3200xf32, #tpu.memory_space<hbm>>
      %dma_wait3A_27 = tpu.memref_slice %arg2[%dma_wait3A, %mul3A_2] : memref<1x100000xf32, #tpu.memory_space<hbm>> -> memref<1x3200xf32, #tpu.memory_space<hbm>>
      %dma_wait3A_28 = tpu.memref_squeeze %dma_wait3A_27 : memref<1x3200xf32, #tpu.memory_space<hbm>> -> memref<3200xf32, #tpu.memory_space<hbm>>
      tpu.wait_dma2 semaphore(%arg16 : memref<!tpu.dma_semaphore, #tpu.memory_space<semaphore_mem>>) src(%dma_wait3A_28 : memref<3200xf32, #tpu.memory_space<hbm>>) dst(%arg9 : memref<3200xf32, #tpu.memory_space<vmem>>)
      %dma_wait3A_29 = arith.constant 0 : i32
      %dma_wait3A_30 = tpu.memref_slice %arg10[%dma_wait3A_29] : memref<3200xi32, #tpu.memory_space<vmem>> -> memref<3200xi32, #tpu.memory_space<vmem>>
      %dma_wait3A_31 = tpu.memref_slice %arg3[%mul3A_2] : memref<100000xi32, #tpu.memory_space<hbm>> -> memref<3200xi32, #tpu.memory_space<hbm>>
      %dma_wait3A_32 = arith.constant 0 : i32
      %dma_wait3A_33 = tpu.memref_slice %arg10[%dma_wait3A_32] : memref<3200xi32, #tpu.memory_space<vmem>> -> memref<3200xi32, #tpu.memory_space<vmem>>
      %dma_wait3A_34 = tpu.memref_slice %arg3[%mul3A_2] : memref<100000xi32, #tpu.memory_space<hbm>> -> memref<3200xi32, #tpu.memory_space<hbm>>
      tpu.wait_dma2 semaphore(%arg16 : memref<!tpu.dma_semaphore, #tpu.memory_space<semaphore_mem>>) src(%dma_wait3A_34 : memref<3200xi32, #tpu.memory_space<hbm>>) dst(%dma_wait3A_33 : memref<3200xi32, #tpu.memory_space<vmem>>)
      %dma_wait3A_35 = arith.constant 0 : i32
      %dma_wait3A_36 = tpu.memref_slice %arg11[%dma_wait3A_35] : memref<3200xi32, #tpu.memory_space<vmem>> -> memref<3200xi32, #tpu.memory_space<vmem>>
      %dma_wait3A_37 = tpu.memref_slice %arg5[%mul3A_2] : memref<100000xi32, #tpu.memory_space<hbm>> -> memref<3200xi32, #tpu.memory_space<hbm>>
      %dma_wait3A_38 = arith.constant 0 : i32
      %dma_wait3A_39 = tpu.memref_slice %arg11[%dma_wait3A_38] : memref<3200xi32, #tpu.memory_space<vmem>> -> memref<3200xi32, #tpu.memory_space<vmem>>
      %dma_wait3A_40 = tpu.memref_slice %arg5[%mul3A_2] : memref<100000xi32, #tpu.memory_space<hbm>> -> memref<3200xi32, #tpu.memory_space<hbm>>
      tpu.wait_dma2 semaphore(%arg16 : memref<!tpu.dma_semaphore, #tpu.memory_space<semaphore_mem>>) src(%dma_wait3A_40 : memref<3200xi32, #tpu.memory_space<hbm>>) dst(%dma_wait3A_39 : memref<3200xi32, #tpu.memory_space<vmem>>)
      %parallel_loop3A = arith.constant 0 : i32
      %parallel_loop3A_41 = arith.constant 200 : i32
      %parallel_loop3A_42 = arith.constant 1 : i32
      scf.for %parallel_loop3A_43 = %parallel_loop3A to %parallel_loop3A_41 step %parallel_loop3A_42  : i32 {
        %parallel_loop3A_44 = arith.constant 16 : i32
        %parallel_loop3A_45 = arith.muli %parallel_loop3A_43, %parallel_loop3A_44 : i32
        %parallel_loop3A_46 = arith.index_cast %parallel_loop3A_45 : i32 to index
        %parallel_loop3A_47 = tpu.vector_load %arg10[%parallel_loop3A_46] {strides = array<i32>} : memref<3200xi32, #tpu.memory_space<vmem>>, vector<16xi32>,
        %parallel_loop3A_48 = arith.index_cast %parallel_loop3A_45 : i32 to index
        %parallel_loop3A_49 = tpu.vector_load %arg11[%parallel_loop3A_48] {strides = array<i32>} : memref<3200xi32, #tpu.memory_space<vmem>>, vector<16xi32>,
        %parallel_loop3A_50 = tpu.vector_load_idx %arg13[%parallel_loop3A_47] : memref<64xi32, #tpu.memory_space<vmem>>[vector<16xi32>], vector<16xi32>,
        %parallel_loop3A_51 = tpu.vector_load_idx %arg14[%parallel_loop3A_50, %parallel_loop3A_49] : memref<4x16xf32, #tpu.memory_space<vmem>>[vector<16xi32>, vector<16xi32>], vector<16xf32>,
        %parallel_loop3A_52 = tpu.vector_load_idx %arg15[%parallel_loop3A_50, %parallel_loop3A_49] : memref<4x16xf32, #tpu.memory_space<vmem>>[vector<16xi32>, vector<16xi32>], vector<16xf32>,
        %parallel_loop3A_53 = arith.index_cast %parallel_loop3A_45 : i32 to index
        %parallel_loop3A_54 = tpu.vector_load %arg9[%parallel_loop3A_53] {strides = array<i32>} : memref<3200xf32, #tpu.memory_space<vmem>>, vector<16xf32>,
        %parallel_loop3A_55 = arith.mulf %parallel_loop3A_54, %parallel_loop3A_52 : vector<16xf32>
        %parallel_loop3A_56 = arith.addf %parallel_loop3A_55, %parallel_loop3A_51 : vector<16xf32>
        %parallel_loop3A_57 = arith.index_cast %parallel_loop3A_45 : i32 to index
        %parallel_loop3A_58 = tpu.vector_load %arg12[%parallel_loop3A_57] {strides = array<i32>} : memref<3200xf32, #tpu.memory_space<vmem>>, vector<16xf32>,
        tpu.vector_store %arg12[%parallel_loop3A_57], %parallel_loop3A_56 {strides = array<i32>} : memref<3200xf32, #tpu.memory_space<vmem>>, vector<16xf32>,
      } {sc.loop_unroll_factor = 10 : i64, sc.parallel_access}
      %run_scoped3A = arith.constant 0 : i32
      "tpu.region"() ({
        %run_scoped3A_43 = tpu.sem_alloc : memref<!tpu.dma_semaphore, #tpu.memory_space<semaphore_mem>>
        %dma_start3A_44 = tpu.memref_slice %arg8[%run_scoped3A, %mul3A_2] : memref<1x100000xf32, #tpu.memory_space<hbm>> -> memref<1x3200xf32, #tpu.memory_space<hbm>>
        %dma_start3A_45 = tpu.memref_squeeze %dma_start3A_44 : memref<1x3200xf32, #tpu.memory_space<hbm>> -> memref<3200xf32, #tpu.memory_space<hbm>>
        %dma_start3A_46 = tpu.memref_slice %arg8[%run_scoped3A, %mul3A_2] : memref<1x100000xf32, #tpu.memory_space<hbm>> -> memref<1x3200xf32, #tpu.memory_space<hbm>>
        %dma_start3A_47 = tpu.memref_squeeze %dma_start3A_46 : memref<1x3200xf32, #tpu.memory_space<hbm>> -> memref<3200xf32, #tpu.memory_space<hbm>>
        tpu.enqueue_dma source(%arg12 : memref<3200xf32, #tpu.memory_space<vmem>>) target(%dma_start3A_47 : memref<3200xf32, #tpu.memory_space<hbm>>) target_semaphore(%run_scoped3A_43 : memref<!tpu.dma_semaphore, #tpu.memory_space<semaphore_mem>>)
        %dma_wait3A_48 = tpu.memref_slice %arg8[%run_scoped3A, %mul3A_2] : memref<1x100000xf32, #tpu.memory_space<hbm>> -> memref<1x3200xf32, #tpu.memory_space<hbm>>
        %dma_wait3A_49 = tpu.memref_squeeze %dma_wait3A_48 : memref<1x3200xf32, #tpu.memory_space<hbm>> -> memref<3200xf32, #tpu.memory_space<hbm>>
        %dma_wait3A_50 = tpu.memref_slice %arg8[%run_scoped3A, %mul3A_2] : memref<1x100000xf32, #tpu.memory_space<hbm>> -> memref<1x3200xf32, #tpu.memory_space<hbm>>
        %dma_wait3A_51 = tpu.memref_squeeze %dma_wait3A_50 : memref<1x3200xf32, #tpu.memory_space<hbm>> -> memref<3200xf32, #tpu.memory_space<hbm>>
        tpu.wait_dma2 semaphore(%run_scoped3A_43 : memref<!tpu.dma_semaphore, #tpu.memory_space<semaphore_mem>>) src(%arg12 : memref<3200xf32, #tpu.memory_space<vmem>>) dst(%dma_wait3A_51 : memref<3200xf32, #tpu.memory_space<hbm>>)
        tpu.yield
      }) : () -> ()
    } else {
    }
    %convert_element_type3A_6 = arith.extui %eq3A_3 : i1 to i32
    %cond3A_7 = arith.constant 0 : i32
    %cond3A_8 = arith.cmpi ne, %convert_element_type3A_6, %cond3A_7 : i32
    scf.if %cond3A_8 {
      %multiple_of3A = arith.constant 99200 : i32
      %multiple_of3A_9 = tpu.assume_multiple %multiple_of3A, 128 : i32
      %dma_start3A = arith.constant 0 : i32
      %dma_start3A_10 = arith.constant 0 : i32
      %dma_start3A_11 = tpu.memref_slice %arg9[%dma_start3A_10] : memref<3200xf32, #tpu.memory_space<vmem>> -> memref<896xf32, #tpu.memory_space<vmem>>
      %dma_start3A_12 = tpu.memref_slice %arg2[%dma_start3A, %multiple_of3A_9] : memref<1x100000xf32, #tpu.memory_space<hbm>> -> memref<1x896xf32, #tpu.memory_space<hbm>>
      %dma_start3A_13 = tpu.memref_squeeze %dma_start3A_12 : memref<1x896xf32, #tpu.memory_space<hbm>> -> memref<896xf32, #tpu.memory_space<hbm>>
      %dma_start3A_14 = arith.constant 0 : i32
      %dma_start3A_15 = tpu.memref_slice %arg9[%dma_start3A_14] : memref<3200xf32, #tpu.memory_space<vmem>> -> memref<896xf32, #tpu.memory_space<vmem>>
      %dma_start3A_16 = tpu.memref_slice %arg2[%dma_start3A, %multiple_of3A_9] : memref<1x100000xf32, #tpu.memory_space<hbm>> -> memref<1x896xf32, #tpu.memory_space<hbm>>
      %dma_start3A_17 = tpu.memref_squeeze %dma_start3A_16 : memref<1x896xf32, #tpu.memory_space<hbm>> -> memref<896xf32, #tpu.memory_space<hbm>>
      tpu.enqueue_dma source(%dma_start3A_17 : memref<896xf32, #tpu.memory_space<hbm>>) target(%dma_start3A_15 : memref<896xf32, #tpu.memory_space<vmem>>) target_semaphore(%arg16 : memref<!tpu.dma_semaphore, #tpu.memory_space<semaphore_mem>>)
      %dma_start3A_18 = arith.constant 0 : i32
      %dma_start3A_19 = tpu.memref_slice %arg10[%dma_start3A_18] : memref<3200xi32, #tpu.memory_space<vmem>> -> memref<800xi32, #tpu.memory_space<vmem>>
      %dma_start3A_20 = arith.constant 99200 : i32
      %dma_start3A_21 = tpu.memref_slice %arg3[%dma_start3A_20] : memref<100000xi32, #tpu.memory_space<hbm>> -> memref<800xi32, #tpu.memory_space<hbm>>
      %dma_start3A_22 = arith.constant 0 : i32
      %dma_start3A_23 = tpu.memref_slice %arg10[%dma_start3A_22] : memref<3200xi32, #tpu.memory_space<vmem>> -> memref<800xi32, #tpu.memory_space<vmem>>
      %dma_start3A_24 = arith.constant 99200 : i32
      %dma_start3A_25 = tpu.memref_slice %arg3[%dma_start3A_24] : memref<100000xi32, #tpu.memory_space<hbm>> -> memref<800xi32, #tpu.memory_space<hbm>>
      tpu.enqueue_dma source(%dma_start3A_25 : memref<800xi32, #tpu.memory_space<hbm>>) target(%dma_start3A_23 : memref<800xi32, #tpu.memory_space<vmem>>) target_semaphore(%arg16 : memref<!tpu.dma_semaphore, #tpu.memory_space<semaphore_mem>>)
      %dma_start3A_26 = arith.constant 0 : i32
      %dma_start3A_27 = tpu.memref_slice %arg11[%dma_start3A_26] : memref<3200xi32, #tpu.memory_space<vmem>> -> memref<800xi32, #tpu.memory_space<vmem>>
      %dma_start3A_28 = arith.constant 99200 : i32
      %dma_start3A_29 = tpu.memref_slice %arg5[%dma_start3A_28] : memref<100000xi32, #tpu.memory_space<hbm>> -> memref<800xi32, #tpu.memory_space<hbm>>
      %dma_start3A_30 = arith.constant 0 : i32
      %dma_start3A_31 = tpu.memref_slice %arg11[%dma_start3A_30] : memref<3200xi32, #tpu.memory_space<vmem>> -> memref<800xi32, #tpu.memory_space<vmem>>
      %dma_start3A_32 = arith.constant 99200 : i32
      %dma_start3A_33 = tpu.memref_slice %arg5[%dma_start3A_32] : memref<100000xi32, #tpu.memory_space<hbm>> -> memref<800xi32, #tpu.memory_space<hbm>>
      tpu.enqueue_dma source(%dma_start3A_33 : memref<800xi32, #tpu.memory_space<hbm>>) target(%dma_start3A_31 : memref<800xi32, #tpu.memory_space<vmem>>) target_semaphore(%arg16 : memref<!tpu.dma_semaphore, #tpu.memory_space<semaphore_mem>>)
      tpu.wait_dma2 semaphore(%arg16 : memref<!tpu.dma_semaphore, #tpu.memory_space<semaphore_mem>>) src(%arg4 : memref<64xi32, #tpu.memory_space<hbm>>) dst(%arg13 : memref<64xi32, #tpu.memory_space<vmem>>)
      tpu.wait_dma2 semaphore(%arg16 : memref<!tpu.dma_semaphore, #tpu.memory_space<semaphore_mem>>) src(%arg6 : memref<4x16xf32, #tpu.memory_space<hbm>>) dst(%arg14 : memref<4x16xf32, #tpu.memory_space<vmem>>)
      tpu.wait_dma2 semaphore(%arg16 : memref<!tpu.dma_semaphore, #tpu.memory_space<semaphore_mem>>) src(%arg7 : memref<4x16xf32, #tpu.memory_space<hbm>>) dst(%arg15 : memref<4x16xf32, #tpu.memory_space<vmem>>)
      %dma_wait3A = arith.constant 0 : i32
      %dma_wait3A_34 = arith.constant 0 : i32
      %dma_wait3A_35 = tpu.memref_slice %arg9[%dma_wait3A_34] : memref<3200xf32, #tpu.memory_space<vmem>> -> memref<896xf32, #tpu.memory_space<vmem>>
      %dma_wait3A_36 = tpu.memref_slice %arg2[%dma_wait3A, %multiple_of3A_9] : memref<1x100000xf32, #tpu.memory_space<hbm>> -> memref<1x896xf32, #tpu.memory_space<hbm>>
      %dma_wait3A_37 = tpu.memref_squeeze %dma_wait3A_36 : memref<1x896xf32, #tpu.memory_space<hbm>> -> memref<896xf32, #tpu.memory_space<hbm>>
      %dma_wait3A_38 = arith.constant 0 : i32
      %dma_wait3A_39 = tpu.memref_slice %arg9[%dma_wait3A_38] : memref<3200xf32, #tpu.memory_space<vmem>> -> memref<896xf32, #tpu.memory_space<vmem>>
      %dma_wait3A_40 = tpu.memref_slice %arg2[%dma_wait3A, %multiple_of3A_9] : memref<1x100000xf32, #tpu.memory_space<hbm>> -> memref<1x896xf32, #tpu.memory_space<hbm>>
      %dma_wait3A_41 = tpu.memref_squeeze %dma_wait3A_40 : memref<1x896xf32, #tpu.memory_space<hbm>> -> memref<896xf32, #tpu.memory_space<hbm>>
      tpu.wait_dma2 semaphore(%arg16 : memref<!tpu.dma_semaphore, #tpu.memory_space<semaphore_mem>>) src(%dma_wait3A_41 : memref<896xf32, #tpu.memory_space<hbm>>) dst(%dma_wait3A_39 : memref<896xf32, #tpu.memory_space<vmem>>)
      %dma_wait3A_42 = arith.constant 0 : i32
      %dma_wait3A_43 = tpu.memref_slice %arg10[%dma_wait3A_42] : memref<3200xi32, #tpu.memory_space<vmem>> -> memref<800xi32, #tpu.memory_space<vmem>>
      %dma_wait3A_44 = arith.constant 99200 : i32
      %dma_wait3A_45 = tpu.memref_slice %arg3[%dma_wait3A_44] : memref<100000xi32, #tpu.memory_space<hbm>> -> memref<800xi32, #tpu.memory_space<hbm>>
      %dma_wait3A_46 = arith.constant 0 : i32
      %dma_wait3A_47 = tpu.memref_slice %arg10[%dma_wait3A_46] : memref<3200xi32, #tpu.memory_space<vmem>> -> memref<800xi32, #tpu.memory_space<vmem>>
      %dma_wait3A_48 = arith.constant 99200 : i32
      %dma_wait3A_49 = tpu.memref_slice %arg3[%dma_wait3A_48] : memref<100000xi32, #tpu.memory_space<hbm>> -> memref<800xi32, #tpu.memory_space<hbm>>
      tpu.wait_dma2 semaphore(%arg16 : memref<!tpu.dma_semaphore, #tpu.memory_space<semaphore_mem>>) src(%dma_wait3A_49 : memref<800xi32, #tpu.memory_space<hbm>>) dst(%dma_wait3A_47 : memref<800xi32, #tpu.memory_space<vmem>>)
      %dma_wait3A_50 = arith.constant 0 : i32
      %dma_wait3A_51 = tpu.memref_slice %arg11[%dma_wait3A_50] : memref<3200xi32, #tpu.memory_space<vmem>> -> memref<800xi32, #tpu.memory_space<vmem>>
      %dma_wait3A_52 = arith.constant 99200 : i32
      %dma_wait3A_53 = tpu.memref_slice %arg5[%dma_wait3A_52] : memref<100000xi32, #tpu.memory_space<hbm>> -> memref<800xi32, #tpu.memory_space<hbm>>
      %dma_wait3A_54 = arith.constant 0 : i32
      %dma_wait3A_55 = tpu.memref_slice %arg11[%dma_wait3A_54] : memref<3200xi32, #tpu.memory_space<vmem>> -> memref<800xi32, #tpu.memory_space<vmem>>
      %dma_wait3A_56 = arith.constant 99200 : i32
      %dma_wait3A_57 = tpu.memref_slice %arg5[%dma_wait3A_56] : memref<100000xi32, #tpu.memory_space<hbm>> -> memref<800xi32, #tpu.memory_space<hbm>>
      tpu.wait_dma2 semaphore(%arg16 : memref<!tpu.dma_semaphore, #tpu.memory_space<semaphore_mem>>) src(%dma_wait3A_57 : memref<800xi32, #tpu.memory_space<hbm>>) dst(%dma_wait3A_55 : memref<800xi32, #tpu.memory_space<vmem>>)
      %parallel_loop3A = arith.constant 0 : i32
      %parallel_loop3A_58 = arith.constant 56 : i32
      %parallel_loop3A_59 = arith.constant 1 : i32
      scf.for %parallel_loop3A_62 = %parallel_loop3A to %parallel_loop3A_58 step %parallel_loop3A_59  : i32 {
        %parallel_loop3A_63 = arith.constant 16 : i32
        %parallel_loop3A_64 = arith.muli %parallel_loop3A_62, %parallel_loop3A_63 : i32
        %parallel_loop3A_65 = arith.index_cast %parallel_loop3A_64 : i32 to index
        %parallel_loop3A_66 = tpu.vector_load %arg10[%parallel_loop3A_65] {strides = array<i32>} : memref<3200xi32, #tpu.memory_space<vmem>>, vector<16xi32>,
        %parallel_loop3A_67 = arith.constant 63 : i32
        %parallel_loop3A_68 = vector.broadcast %parallel_loop3A_67 : i32 to vector<16xi32>
        %parallel_loop3A_69 = arith.andi %parallel_loop3A_66, %parallel_loop3A_68 : vector<16xi32>
        %parallel_loop3A_70 = arith.index_cast %parallel_loop3A_64 : i32 to index
        %parallel_loop3A_71 = tpu.vector_load %arg11[%parallel_loop3A_70] {strides = array<i32>} : memref<3200xi32, #tpu.memory_space<vmem>>, vector<16xi32>,
        %parallel_loop3A_72 = arith.constant 15 : i32
        %parallel_loop3A_73 = vector.broadcast %parallel_loop3A_72 : i32 to vector<16xi32>
        %parallel_loop3A_74 = arith.andi %parallel_loop3A_71, %parallel_loop3A_73 : vector<16xi32>
        %parallel_loop3A_75 = tpu.vector_load_idx %arg13[%parallel_loop3A_69] : memref<64xi32, #tpu.memory_space<vmem>>[vector<16xi32>], vector<16xi32>,
        %parallel_loop3A_76 = tpu.vector_load_idx %arg14[%parallel_loop3A_75, %parallel_loop3A_74] : memref<4x16xf32, #tpu.memory_space<vmem>>[vector<16xi32>, vector<16xi32>], vector<16xf32>,
        %parallel_loop3A_77 = tpu.vector_load_idx %arg15[%parallel_loop3A_75, %parallel_loop3A_74] : memref<4x16xf32, #tpu.memory_space<vmem>>[vector<16xi32>, vector<16xi32>], vector<16xf32>,
        %parallel_loop3A_78 = arith.index_cast %parallel_loop3A_64 : i32 to index
        %parallel_loop3A_79 = tpu.vector_load %arg9[%parallel_loop3A_78] {strides = array<i32>} : memref<3200xf32, #tpu.memory_space<vmem>>, vector<16xf32>,
        %parallel_loop3A_80 = arith.mulf %parallel_loop3A_79, %parallel_loop3A_77 : vector<16xf32>
        %parallel_loop3A_81 = arith.addf %parallel_loop3A_80, %parallel_loop3A_76 : vector<16xf32>
        %parallel_loop3A_82 = arith.index_cast %parallel_loop3A_64 : i32 to index
        %parallel_loop3A_83 = tpu.vector_load %arg12[%parallel_loop3A_82] {strides = array<i32>} : memref<3200xf32, #tpu.memory_space<vmem>>, vector<16xf32>,
        tpu.vector_store %arg12[%parallel_loop3A_82], %parallel_loop3A_81 {strides = array<i32>} : memref<3200xf32, #tpu.memory_space<vmem>>, vector<16xf32>,
      } {sc.loop_unroll_factor = 7 : i64, sc.parallel_access}
      %multiple_of3A_60 = arith.constant 99200 : i32
      %multiple_of3A_61 = tpu.assume_multiple %multiple_of3A_60, 128 : i32
      %run_scoped3A = arith.constant 0 : i32
      "tpu.region"() ({
        %run_scoped3A_62 = tpu.sem_alloc : memref<!tpu.dma_semaphore, #tpu.memory_space<semaphore_mem>>
        %dma_start3A_63 = arith.constant 0 : i32
        %dma_start3A_64 = tpu.memref_slice %arg12[%dma_start3A_63] : memref<3200xf32, #tpu.memory_space<vmem>> -> memref<896xf32, #tpu.memory_space<vmem>>
        %dma_start3A_65 = tpu.memref_slice %arg8[%run_scoped3A, %multiple_of3A_61] : memref<1x100000xf32, #tpu.memory_space<hbm>> -> memref<1x896xf32, #tpu.memory_space<hbm>>
        %dma_start3A_66 = tpu.memref_squeeze %dma_start3A_65 : memref<1x896xf32, #tpu.memory_space<hbm>> -> memref<896xf32, #tpu.memory_space<hbm>>
        %dma_start3A_67 = tpu.memref_slice %arg8[%run_scoped3A, %multiple_of3A_61] : memref<1x100000xf32, #tpu.memory_space<hbm>> -> memref<1x896xf32, #tpu.memory_space<hbm>>
        %dma_start3A_68 = tpu.memref_squeeze %dma_start3A_67 : memref<1x896xf32, #tpu.memory_space<hbm>> -> memref<896xf32, #tpu.memory_space<hbm>>
        %dma_start3A_69 = arith.constant 0 : i32
        %dma_start3A_70 = tpu.memref_slice %arg12[%dma_start3A_69] : memref<3200xf32, #tpu.memory_space<vmem>> -> memref<896xf32, #tpu.memory_space<vmem>>
        tpu.enqueue_dma source(%dma_start3A_70 : memref<896xf32, #tpu.memory_space<vmem>>) target(%dma_start3A_68 : memref<896xf32, #tpu.memory_space<hbm>>) target_semaphore(%run_scoped3A_62 : memref<!tpu.dma_semaphore, #tpu.memory_space<semaphore_mem>>)
        %dma_wait3A_71 = arith.constant 0 : i32
        %dma_wait3A_72 = tpu.memref_slice %arg12[%dma_wait3A_71] : memref<3200xf32, #tpu.memory_space<vmem>> -> memref<896xf32, #tpu.memory_space<vmem>>
        %dma_wait3A_73 = tpu.memref_slice %arg8[%run_scoped3A, %multiple_of3A_61] : memref<1x100000xf32, #tpu.memory_space<hbm>> -> memref<1x896xf32, #tpu.memory_space<hbm>>
        %dma_wait3A_74 = tpu.memref_squeeze %dma_wait3A_73 : memref<1x896xf32, #tpu.memory_space<hbm>> -> memref<896xf32, #tpu.memory_space<hbm>>
        %dma_wait3A_75 = tpu.memref_slice %arg8[%run_scoped3A, %multiple_of3A_61] : memref<1x100000xf32, #tpu.memory_space<hbm>> -> memref<1x896xf32, #tpu.memory_space<hbm>>
        %dma_wait3A_76 = tpu.memref_squeeze %dma_wait3A_75 : memref<1x896xf32, #tpu.memory_space<hbm>> -> memref<896xf32, #tpu.memory_space<hbm>>
        %dma_wait3A_77 = arith.constant 0 : i32
        %dma_wait3A_78 = tpu.memref_slice %arg12[%dma_wait3A_77] : memref<3200xf32, #tpu.memory_space<vmem>> -> memref<896xf32, #tpu.memory_space<vmem>>
        tpu.wait_dma2 semaphore(%run_scoped3A_62 : memref<!tpu.dma_semaphore, #tpu.memory_space<semaphore_mem>>) src(%dma_wait3A_78 : memref<896xf32, #tpu.memory_space<vmem>>) dst(%dma_wait3A_76 : memref<896xf32, #tpu.memory_space<hbm>>)
        tpu.yield
      }) : () -> ()
    } else {
    }
    return
  }
}

</mosaic_0001>

<sc_bundles>
// kernel: kernel.3.cloned.1.call-start
scs
__scs_entry_jumppad:
0x0: {  	(pc) =	sbr.rel $0x88, $3  }
0x1: {  	(tag) =	ssettag $0x0;
	lr =	simm.s32 $0x1  }
0x2: {  	[smem:$0x3F9B] =	sst lr;
	_ =	strace $0xD0000000  }
0x3: {  	_ = 	snop  }
0x4: {  	_ = 	snop  }
0x5: {  	_ = 	snop  }
0x6: {  	_ = 	snop  }
0x7: {  	_ = 	snop  }
__scs_overlays_trampoline_lowered:
0x8: {  	[smem:$0x3FAA] =	sst s0  }
0x9: {  	[smem:$0x3FAB] =	sst s1  }
0xa: {  	[smem:$0x3FAC] =	sst s2  }
0xb: {  	[smem:$0x3FAD] =	sst s3  }
0xc: {  	[smem:$0x3FAE] =	sst s4  }
0xd: {  	[smem:$0x3FAF] =	sst s5  }
0xe: {  	[smem:$0x3FB0] =	sst s6  }
0xf: {  	[smem:$0x3FB1] =	sst s7  }
0x10: {  	[smem:$0x3FB2] =	sst s8  }
0x11: {  	[smem:$0x3FB3] =	sst s9;
	s0 =	simm.s32 @!p0 $0x0  }
0x12: {  	s1 =	sld [smem:$0x3F99];
	s0 =	simm.s32 @p0 $0x1  }
0x13: {  	[smem:$0x3FB4] =	sst s0;
	s0 =	simm.s32 @!p1 $0x0  }
0x14: {  	s2 =	sld [smem:$0x3F98];
	s0 =	simm.s32 @p1 $0x1  }
0x15: {  	[smem:$0x3FB5] =	sst s0;
	s0 =	simm.s32 @!p2 $0x0  }
0x16: {  	s3 =	sld [smem:$0x3FDB];
	s0 =	simm.s32 @p2 $0x1  }
0x17: {  	s4 =	simm.s32 $0x1BF5;
	[smem:$0x3FB7] =	sst s0  }
0x18: {  	s0 =	sld [smem:$0x3F9A];
	_ =	swait.ge [sflag:s4], $0x0  }
0x19: {  	s7 =	sld [smem:$0x3F9B]  }
0x1a: {  	s8 =	sadd.s32 $0xFFFFE003, lr  }
0x1b: {  	s9 =	sadd.s32 $0xFFFFFEF7, lr;
	s5 =	simm.s32 $0xFFFFFFFF;
	p2 =	slt.u32 s8, $0xFFFFF086  }
0x1c: {  	p1 =	slt.u32 s9, $0xF7A;
	s5 =	simm.s32 @!p2 $0x0  }
0x1d: {  	s5 =	simm.s32 @p1 $0x1;
	p0 =	seq.s32 s7, s2  }
0x1e: {  	s7 =	smul.u32 @!p0 $0xF7A, s2;
	p2 =	seq.s32 @!p0 s5, $0x0  }
0x1f: {  	s9 =	smul.u32 $0xF7A, s1;
	s8 =	simm.s32 @!p0 $0x1BF5;
	p2 =	por !p2, p0  }
0x20: {  	[sflag:s8] =	ssyncset.s32 @!p0 $0xFFFFF086;
	s6 =	sadd.s32 @!p0 s3, s7;
	s7 =	simm.s32 @!p0 $0x108  }
0x21: {  	s3 =	sadd.s32 s3, s9;
	s6 =	sadd.s32 @!p0 $0x88, s6;
	s7 =	simm.s32 @p2 $0x1082  }
0x22: {  	[simem:s7], [sflag:s8] =	dma.local @!p0 [hbm:s6], $0xF7A  }
0x23: {  	s9 =	sor.u32 $0xD0000000, s2;
	s6 =	simm.s32 $0x108;
	_ =	swait.ge @!p0 [sflag:s8], $0x0  }
0x24: {  	s3 =	sadd.s32 $0x88, s3;
	s6 =	simm.s32 @!p1 $0x1082;
	[sflag:s4] =	ssyncset.s32 $0xFFFFF086  }
0x25: {  	[simem:s6], [sflag:s4] =	dma.local [hbm:s3], $0xF7A  }
0x26: {  	[smem:$0x3F9B] =	sst s1;
	(tag) =	ssettag s2;
	_ =	strace s9  }
0x27: {  	s1 =	sld [smem:$0x3FAB]  }
0x28: {  	s2 =	sld [smem:$0x3FAC]  }
0x29: {  	s4 =	sld [smem:$0x3FAE]  }
0x2a: {  	p0 =	seq.s32 s5, $0x0;
	s5 =	sld [smem:$0x3FAF]  }
0x2b: {  	s6 =	sld [smem:$0x3FB0]  }
0x2c: {  	s7 =	sld [smem:$0x3FB1]  }
0x2d: {  	s3 =	simm.s32 $0x108;
	s8 =	sld [smem:$0x3FB2]  }
0x2e: {  	s3 =	simm.s32 @!p0 $0x1082;
	s9 =	sld [smem:$0x3FB3]  }
0x2f: {  	lr =	sadd.s32 s0, s3;
	s0 =	sld [smem:$0x3FAA]  }
0x30: {  	s3 =	sld [smem:$0x3FAD]  }
0x31: {  	[smem:$0x3FB6] =	sst s10  }
0x32: {  	s10 =	sld [smem:$0x3FB4];
	_ =	sdelay $0x3  }
0x33: {  	p0 =	seq.s32 s10, $0x1;
	s10 =	sld [smem:$0x3FB6];
	_ =	sdelay $0x3  }
0x34: {  	[smem:$0x3FB6] =	sst s10  }
0x35: {  	s10 =	sld [smem:$0x3FB5];
	_ =	sdelay $0x3  }
0x36: {  	p1 =	seq.s32 s10, $0x1;
	s10 =	sld [smem:$0x3FB6];
	_ =	sdelay $0x3  }
0x37: {  	[smem:$0x3FB6] =	sst s10  }
0x38: {  	s10 =	sld [smem:$0x3FB7]  }
0x39: {  	_ = 	snop;
	(pc) =	sbr.ind lr, $3  }
0x3a: {  	_ = 	snop  }
0x3b: {  	_ = 	snop  }
0x3c: {  	p2 =	seq.s32 s10, $0x1;
	s10 =	sld [smem:$0x3FB6]  }
0x3d: {  	_ =	shalt  }
0x3e: {  	_ =	shalt  }
0x3f: {  	_ =	shalt  }
0x40: {  	_ =	shalt  }
0x41: {  	_ =	shalt  }
0x42: {  	_ =	shalt  }
0x43: {  	_ =	shalt  }
0x44: {  	_ =	shalt  }
0x45: {  	_ =	shalt  }
0x46: {  	_ =	shalt  }
0x47: {  	_ =	shalt  }
0x48: {  	_ =	shalt  }
0x49: {  	_ =	shalt  }
0x4a: {  	_ =	shalt  }
0x4b: {  	_ =	shalt  }
0x4c: {  	_ =	shalt  }
0x4d: {  	_ =	shalt  }
0x4e: {  	_ =	shalt  }
0x4f: {  	_ =	shalt  }
0x50: {  	_ =	shalt  }
0x51: {  	_ =	shalt  }
0x52: {  	_ =	shalt  }
0x53: {  	_ =	shalt  }
0x54: {  	_ =	shalt  }
0x55: {  	_ =	shalt  }
0x56: {  	_ =	shalt  }
0x57: {  	_ =	shalt  }
0x58: {  	_ =	shalt  }
0x59: {  	_ =	shalt  }
0x5a: {  	_ =	shalt  }
0x5b: {  	_ =	shalt  }
0x5c: {  	_ =	shalt  }
0x5d: {  	_ =	shalt  }
0x5e: {  	_ =	shalt  }
0x5f: {  	_ =	shalt  }
0x60: {  	_ =	shalt  }
0x61: {  	_ =	shalt  }
0x62: {  	_ =	shalt  }
0x63: {  	_ =	shalt  }
0x64: {  	_ =	shalt  }
0x65: {  	_ =	shalt  }
0x66: {  	_ =	shalt  }
0x67: {  	_ =	shalt  }
0x68: {  	_ =	shalt  }
0x69: {  	_ =	shalt  }
0x6a: {  	_ =	shalt  }
0x6b: {  	_ =	shalt  }
0x6c: {  	_ =	shalt  }
0x6d: {  	_ =	shalt  }
0x6e: {  	_ =	shalt  }
0x6f: {  	_ =	shalt  }
0x70: {  	_ =	shalt  }
0x71: {  	_ =	shalt  }
0x72: {  	_ =	shalt  }
0x73: {  	_ =	shalt  }
0x74: {  	_ =	shalt  }
0x75: {  	_ =	shalt  }
0x76: {  	_ =	shalt  }
0x77: {  	_ =	shalt  }
0x78: {  	_ =	shalt  }
0x79: {  	_ =	shalt  }
0x7a: {  	_ =	shalt  }
0x7b: {  	_ =	shalt  }
0x7c: {  	_ =	shalt  }
0x7d: {  	_ =	shalt  }
0x7e: {  	_ =	shalt  }
0x7f: {  	_ =	shalt  }
0x80: {  	_ =	shalt  }
0x81: {  	_ =	shalt  }
0x82: {  	_ =	shalt  }
0x83: {  	_ =	shalt  }
0x84: {  	_ =	shalt  }
0x85: {  	_ =	shalt  }
0x86: {  	_ =	shalt  }
0x87: {  	_ =	shalt  }
.Lfunc_end0:
.L_simem_size_0:
called_computation_lowered:
.L_overlay_start_0:
0x88: {  	s2 =	sld [smem:$0x3FD9]  }
0x89: {  	s3 =	sld [smem:$0x3FFE];
	_ =	sdelay $0x1  }
0x8a: {  	s1 =	srdreg.scid  }
0x8b: {  	s0 =	sand.u32 $0x1, s1  }
0x8c: {  	s18 =	sshll.u32 s0, $0xA;
	s2 =	sadd.s32 s3, s2  }
0x8d: {  	s2 =	sadd.s32 s2, s18  }
0x8e: {  	[smem:$0x3FC2] =	sst s2  }
0x8f: {  	_ = 	snop  }
0x90: {  	s2 =	sld [smem:$0x3FC9]  }
0x91: {  	s19 =	sld [smem:$0x3FC8]  }
0x92: {  	s4 =	sld [smem:$0x3FC7]  }
0x93: {  	s5 =	sld [smem:$0x3FC6]  }
0x94: {  	s6 =	sld [smem:$0x3FC5]  }
0x95: {  	s7 =	sld [smem:$0x3FC4]  }
0x96: {  	s8 =	sld [smem:$0x3FD0];
	(tm) =	ssettm $0x1  }
0x97: {  	s9 =	sld [smem:$0x3FFB];
	_ =	sdelay $0x3  }
0x98: {  	_ =	strace s9  }
0x99: {  	s9 =	sld [smem:$0x3FFC];
	_ =	sdelay $0x3  }
0x9a: {  	_ =	strace s9  }
0x9b: {  	s9 =	sld [smem:$0x3FFD];
	_ =	sdelay $0x3  }
0x9c: {  	_ =	strace s9  }
0x9d: {  	_ =	strace $0x8FFFFFFF  }
0x9e: {  	s20 =	sld [smem:$0x3FDB];
	_ =	sdelay $0x1  }
0x9f: {  	s10 =	simm.s32 $_scs_section_size  }
0xa0: {  	s11 =	simm.s32 $_size__tile_overlayer_lowered;
	s12 =	simm.s32 $_tile_overlayer_lowered  }
0xa1: {  	s23 =	simm.s32 $0x1BFF;
	s22 =	sshll.u32 s12, $0x1;
	s9 =	sadd.s32 s10, s20  }
0xa2: {  	s13 =	simm.s32 $0x0;
	s21 =	sshll.u32 s11, $0x1;
	s11 =	sadd.s32 s22, s9  }
0xa3: {  	[timem:s13], [sflag:s23] =	dma.local [hbm:s11], s21  }
0xa4: {  	_ =	swait.ge [sflag:s23], s21  }
0xa5: {  	s10 =	ssub.s32 $0x0, s21;
	[sflag:s23] =	ssyncset.done $0x0  }
0xa6: {  	[sflag:s23] =	ssyncadd.s32 s10;
	_ =	sdelay $0x1  }
0xa7: {  	s24 =	simm.s32 $0x1B8B  }
0xa8: {  	_ =	swait.ge [sflag:s24], $0x1  }
0xa9: {  	[sflag:s24] =	ssyncset.done $0x0  }
0xaa: {  	s25 =	simm.s32 $0x1B8E;
	[sflag:s24] =	ssyncadd.s32 $0xFFFFFFFF  }
0xab: {  	s26 =	simm.s32 $execute0_lowered;
	[smem:$0x3FD2] =	sst s25  }
0xac: {  	s10 =	sshll.u32 s26, $0x1;
	_ =	strace $0x80000046;
	[dreg:$0x1] =	wrdreg $0xFFFFFFFF  }
0xad: {  	s28 =	simm.s32 $_size_execute0_lowered;
	s9 =	sadd.s32 s9, s10;
	[dreg:$0x0] =	wrdreg $0x0  }
0xae: {  	s10 =	sshll.u32 s28, $0x1;
	[dreg:$0x2] =	wrdreg s9  }
0xaf: {  	[dreg:$0x3] =	wrdreg s10  }
0xb0: {  	[dreg:$0x4] =	wrdreg $0xC0  }
0xb1: {  	_ =	task [dreg:s13], $0x5FFFF  }
0xb2: {  	[dreg:$0x1] =	wrdreg $0xFFFFFFFF  }
0xb3: {  	[dreg:$0x0] =	wrdreg $0x60  }
0xb4: {  	[dreg:$0x2] =	wrdreg s2  }
0xb5: {  	[dreg:$0x3] =	wrdreg s19  }
0xb6: {  	[dreg:$0x4] =	wrdreg s4  }
0xb7: {  	[dreg:$0x5] =	wrdreg s5  }
0xb8: {  	[dreg:$0x6] =	wrdreg s6  }
0xb9: {  	[dreg:$0x7] =	wrdreg s7  }
0xba: {  	[dreg:$0x8] =	wrdreg s8  }
0xbb: {  	[dreg:$0x9] =	wrdreg $0x9  }
0xbc: {  	_ =	task.clear_ibuf [dreg:s13], $0xAFFFF;
	_ =	strace $0x90000046  }
0xbd: {  	s29 =	simm.s32 $0x9;
	_ =	strace $0x80000048  }
0xbe: {  	_ =	swait.ge [sflag:s29], $0x1  }
0xbf: {  	[sflag:s29] =	ssyncadd.s32 $0xFFFFFFFF  }
0xc0: {  	_ =	strace $0x90000048  }
0xc1: {  	_ =	sfence  }
0xc2: {  	s30 =	sld [smem:$0x0];
	_ =	sdelay $0x2  }
0xc3: {  	s31 =	sshll.u32 s1, $0xD;
	s1 =	sshrl.u32 s1, $0x2  }
0xc4: {  	s3 =	sand.u32 $0x4000, s31;
	s1 =	sadd.s32 s1, s30  }
0xc5: {  	s0 =	sor.u32 s3, s0;
	s1 =	sshll.u32 s1, $0x11  }
0xc6: {  	s0 =	sor.u32 s1, s0  }
0xc7: {  	s0 =	sadd.s32 $0x8F2B, s0  }
0xc8: {  	[sflag:s0] =	ssyncadd.remote.s32 $0x1  }
0xc9: {  	_ =	sfence.sel $0xFFFF  }
0xca: {  	[dreg:$0x0] =	wrdreg $0xFFFFFFFF;
	(pc) =	sbr.abs _section_cstart, $3  }
0xcb: {  	[dreg:$0x1] =	wrdreg $0xFFFFFFFF  }
0xcc: {  	_ =	task.clear_ibuf [dreg:s13], $0x2FFFF;
	_ =	strace $0x9FFFFFFF  }
0xcd: {  	(tm) =	ssettm $0x7FFFFFFF  }
tec
execute0_lowered:
.L_overlay_start_1:
0x0: {  	(tag) =	ssettag $0x1  }
0x1: {  	s3 =	rddreg [dreg:$0x0]  }
0x2: {  	s11 =	rddreg [dreg:$0x1]  }
0x3: {  	s0 =	rddreg [dreg:$0x2]  }
0x4: {  	s12 =	rddreg [dreg:$0x3]  }
0x5: {  	s2 =	rddreg [dreg:$0x4]  }
0x6: {  	s4 =	rddreg [dreg:$0x5];
	s5 =	srdreg.scid  }
0x7: {  	s1 =	stileid.u32;
	s13 =	rddreg [dreg:$0x6]  }
0x8: {  	s16 =	simm.s32 $0x3280;
	s17 =	simm.s32 $0x3480;
	s18 =	simm.s32 $0xC80  }
0x9: {  	s19 =	simm.s32 $0x1900;
	s20 =	simm.s32 $0x1;
	s21 =	simm.s32 $0x2580  }
0xa: {  	s22 =	simm.s32 $0x2;
	s6 =	sand.u32 $0x1, s5;
	s31 =	sshll.u32 s1, $0x1  }
0xb: {  	s23 =	simm.s32 $0x0;
	s5 =	simm.s32 $0x0;
	s15 =	sor.u32 s6, s31  }
0xc: {  	s10 =	sadd.s32 $0x3070, s3;
	s6 =	ssub.s32 $0x2, s6;
	s9 =	smul.u32 $0x190, s15  }
.Ltmp0:
0xd: {  	[smem:$0x7FF] =	sst s5;
	s7 =	sshrl.u32 s6, $0x1;
	(pc) =	sbr.rel .LBB2_1-.Ltmp0, $4  }
0xe: {  	_ =	strace $0x80000047;
	p0 =	seq.s32 s15, $0x1F;
	s15 =	simm.s32 $0x3200  }
0xf: {  	s14 =	ssub.s32 s6, s7;
	s6 =	sadd.s32 s3, s9;
	s7 =	sadd.s32 s11, s9  }
0x10: {  	s8 =	sadd.s32 s12, s9;
	s9 =	sadd.s32 s13, s9;
	s11 =	sadd.s32 $0x3070, s11  }
0x11: {  	s12 =	sadd.s32 $0x3070, s12;
	s13 =	sadd.s32 $0x3070, s13;
	s14 =	smax.u32 s14, $0x1  }
.LBB2_7:
0x12: {  	_ =	sdelay $0x3  }
0x13: {  	v0 =	vld.idx.msk [tilespmem:v0+s16+$0x0], $0xffff  }
0x14: {  	v1 =	vld.idx.msk [tilespmem:v1+s16+$0x0], $0xffff  }
0x15: {  	v6 =	vadd.f32 v6, v11;
	v2 =	vld.idx.msk [tilespmem:v2+s16+$0x0], $0xffff  }
0x16: {  	v4 =	vadd.f32 v4, v13  }
0x17: {  	v5 =	vmul.f32 v5, v9;
	v61 =	vadd.f32 v7, v12;
	[tilespmem:s26+$0xFFFFFFD0] =	vst v6  }
0x18: {  	v62 =	vmul.f32 v10, v8;
	[tilespmem:s26+$0xFFFFFFE0] =	vst v4;
	v0 =	vadd.f32 v3, v0  }
0x19: {  	[tilespmem:s26+$0xFFFFFFF0] =	vst v61;
	v1 =	vadd.f32 v5, v1  }
0x1a: {  	v63 =	vadd.f32 v62, v2;
	[tilespmem:s26+$0x0] =	vst v0  }
0x1b: {  	[tilespmem:s26+$0x10] =	vst v1  }
0x1c: {  	[tilespmem:s26+$0x20] =	vst v63  }
0x1d: {  	[hbm4b:s13+s5] =	stream.linear.scatter [tilespmem:s21], [sflag:$0x2], $0x380, $0x38;
	[tilespmem:$0x3680] =	vst v63  }
0x1e: {  	_ =	swait.ge [sflag:s22], $0x380  }
0x1f: {  	[sflag:s22] =	ssyncset.done $0x0  }
0x20: {  	[sflag:s22] =	ssyncadd.s32 $0xFFFFFC80  }
.LBB2_8:
0x21: {  	s23 =	sadd.s32 $0x1, s23  }
0x22: {  	p1 =	sne.s32 s23, s14  }
.Ltmp1:
0x23: {  	_ = 	snop;
	(pc) =	sbr.rel @!p1 .LBB2_9-.Ltmp1, $1  }
0x24: {  	_ =	sdelay $0x3  }
.LBB2_1:
0x25: {  	[tilespmem:s15], [sflag:$0x1] =	stream.linear.gather [hbm4b:s0+s5], $0x80, $0x38;
	[tilespmem:$0x3680] =	vst v63  }
.Ltmp2:
0x26: {  	_ = 	snop;
	(pc) =	sbr.rel @!p0 .LBB2_2-.Ltmp2, $4  }
0x27: {  	_ = 	snop  }
0x28: {  	[tilespmem:s16], [sflag:$0x1] =	stream.linear.gather [hbm4b:s2+s5], $0x200, $0x38;
	[tilespmem:$0x3680] =	vst v63  }
0x29: {  	_ = 	snop  }
0x2a: {  	[tilespmem:s17], [sflag:$0x1] =	stream.linear.gather [hbm4b:s4+s5], $0x200, $0x38;
	[tilespmem:$0x3680] =	vst v63  }
0x2b: {  	[tilespmem:s5], [sflag:$0x1] =	stream.linear.gather [hbm4b:s10+s5], $0x380, $0x38;
	[tilespmem:$0x3680] =	vst v63  }
0x2c: {  	_ = 	snop  }
0x2d: {  	[tilespmem:s18], [sflag:$0x1] =	stream.linear.gather [hbm4b:s11+s5], $0x320, $0x38;
	[tilespmem:$0x3680] =	vst v63  }
0x2e: {  	_ = 	snop  }
0x2f: {  	[tilespmem:s19], [sflag:$0x1] =	stream.linear.gather [hbm4b:s12+s5], $0x320, $0x38;
	[tilespmem:$0x3680] =	vst v63  }
0x30: {  	_ =	swait.ge [sflag:s20], $0x80  }
0x31: {  	[sflag:s20] =	ssyncset.done $0x0  }
0x32: {  	[sflag:s20] =	ssyncadd.s32 $0xFFFFFF80  }
0x33: {  	_ =	swait.ge [sflag:s20], $0x200  }
0x34: {  	[sflag:s20] =	ssyncset.done $0x0  }
0x35: {  	[sflag:s20] =	ssyncadd.s32 $0xFFFFFE00  }
0x36: {  	_ =	swait.ge [sflag:s20], $0x200  }
0x37: {  	[sflag:s20] =	ssyncset.done $0x0  }
0x38: {  	[sflag:s20] =	ssyncadd.s32 $0xFFFFFE00  }
0x39: {  	_ =	swait.ge [sflag:s20], $0x380  }
0x3a: {  	[sflag:s20] =	ssyncset.done $0x0  }
0x3b: {  	[sflag:s20] =	ssyncadd.s32 $0xFFFFFC80  }
0x3c: {  	_ =	swait.ge [sflag:s20], $0x320  }
0x3d: {  	[sflag:s20] =	ssyncset.done $0x0  }
0x3e: {  	[sflag:s20] =	ssyncadd.s32 $0xFFFFFCE0  }
0x3f: {  	_ =	swait.ge [sflag:s20], $0x320  }
0x40: {  	[sflag:s20] =	ssyncset.done $0x0  }
0x41: {  	s3 =	simm.s32 $0xCB0;
	[sflag:s20] =	ssyncadd.s32 $0xFFFFFCE0  }
0x42: {  	v0 =	vld [tilespmem:s3+$0x30]  }
0x43: {  	v1 =	vld [tilespmem:s3+$0xFFFFFFE0]  }
0x44: {  	v2 =	vld [tilespmem:s3+$0xFFFFFFF0]  }
0x45: {  	v3 =	vld [tilespmem:s3+$0x0]  }
0x46: {  	v4 =	vld [tilespmem:s3+$0x10]  }
0x47: {  	v5 =	vld [tilespmem:s3+$0xFFFFFFD0];
	v0 =	vand.u32 $0x3F, v0  }
0x48: {  	s24 =	simm.s32 $0x1930;
	v6 =	vld [tilespmem:s3+$0x20]  }
0x49: {  	v7 =	vld [tilespmem:s24+$0x30]  }
0x4a: {  	v8 =	vld [tilespmem:s24+$0xFFFFFFE0]  }
0x4b: {  	v9 =	vld [tilespmem:s24+$0xFFFFFFF0];
	v1 =	vand.u32 $0x3F, v1  }
0x4c: {  	v2 =	vand.u32 $0x3F, v2;
	v0 =	vld.idx.msk [tilespmem:v0+s15+$0x0], $0xffff  }
0x4d: {  	s25 =	simm.s32 $0x30;
	v10 =	vld [tilespmem:s24+$0x0];
	v5 =	vand.u32 $0x3F, v5  }
0x4e: {  	v12 =	vld [tilespmem:s25+$0x30]  }
0x4f: {  	v16 =	vld [tilespmem:s25+$0xFFFFFFD0];
	v3 =	vand.u32 $0x3F, v3  }
0x50: {  	v4 =	vand.u32 $0x3F, v4;
	v1 =	vld.idx.msk [tilespmem:v1+s15+$0x0], $0xffff  }
0x51: {  	v6 =	vand.u32 $0x3F, v6;
	v7 =	vand.u32 $0xF, v7;
	v2 =	vld.idx.msk [tilespmem:v2+s15+$0x0], $0xffff;
	v0 =	vshll.u32 v0, $0x7  }
0x52: {  	v5 =	vld.idx.msk [tilespmem:v5+s15+$0x0], $0xffff;
	v0 =	vor.u32 v7, v0  }
0x53: {  	v7 =	vld [tilespmem:s24+$0xFFFFFFD0]  }
0x54: {  	v3 =	vld.idx.msk [tilespmem:v3+s15+$0x0], $0xffff  }
0x55: {  	v4 =	vld.idx.msk [tilespmem:v4+s15+$0x0], $0xffff  }
0x56: {  	v6 =	vld.idx.msk [tilespmem:v6+s15+$0x0], $0xffff  }
0x57: {  	v11 =	vld.idx.msk [tilespmem:v0+s17+$0x0], $0xffff  }
0x58: {  	v5 =	vshll.u32 v5, $0x7;
	v1 =	vshll.u32 v1, $0x7;
	v7 =	vand.u32 $0xF, v7;
	v13 =	vld.idx.msk [tilespmem:v0+s16+$0x0], $0xffff  }
0x59: {  	v0 =	vshll.u32 v2, $0x7;
	v2 =	vld [tilespmem:s24+$0x10];
	v7 =	vor.u32 v7, v5;
	v5 =	vand.u32 $0xF, v8  }
0x5a: {  	v14 =	vor.u32 v5, v1;
	v5 =	vld [tilespmem:s24+$0x20]  }
0x5b: {  	v20 =	vld [tilespmem:s25+$0xFFFFFFF0]  }
0x5c: {  	v21 =	vld [tilespmem:s25+$0x0];
	v1 =	vand.u32 $0xF, v9  }
0x5d: {  	v3 =	vshll.u32 v3, $0x7;
	v15 =	vor.u32 v1, v0;
	v0 =	vand.u32 $0xF, v10;
	v10 =	vld [tilespmem:s25+$0x20]  }
0x5e: {  	v1 =	vshll.u32 v4, $0x7;
	v0 =	vor.u32 v0, v3;
	v3 =	vld [tilespmem:s25+$0xFFFFFFE0];
	v2 =	vand.u32 $0xF, v2  }
0x5f: {  	v6 =	vshll.u32 v6, $0x7;
	v17 =	vld.idx.msk [tilespmem:v7+s17+$0x0], $0xffff;
	v1 =	vor.u32 v2, v1;
	v2 =	vand.u32 $0xF, v5  }
0x60: {  	v4 =	vld.idx.msk [tilespmem:v14+s17+$0x0], $0xffff;
	v2 =	vor.u32 v2, v6  }
0x61: {  	v5 =	vld [tilespmem:s25+$0x10]  }
0x62: {  	v18 =	vld.idx.msk [tilespmem:v15+s17+$0x0], $0xffff  }
0x63: {  	v19 =	vld.idx.msk [tilespmem:v0+s17+$0x0], $0xffff  }
0x64: {  	v6 =	vmul.f32 v12, v11;
	v9 =	vld.idx.msk [tilespmem:v1+s17+$0x0], $0xffff  }
0x65: {  	v8 =	vld.idx.msk [tilespmem:v2+s17+$0x0], $0xffff  }
0x66: {  	v11 =	vld.idx.msk [tilespmem:v7+s16+$0x0], $0xffff;
	v12 =	vadd.f32 v6, v13  }
0x67: {  	s26 =	simm.s32 $0x25B0;
	v13 =	vld.idx.msk [tilespmem:v14+s16+$0x0], $0xffff;
	v6 =	vmul.f32 v16, v17;
	v4 =	vmul.f32 v3, v4  }
0x68: {  	s28 =	simm.s32 $0x0;
	s29 =	simm.s32 $0xD20;
	[tilespmem:s26+$0x30] =	vst v12;
	v12 =	vld.idx.msk [tilespmem:v15+s16+$0x0], $0xffff;
	v7 =	vmul.f32 v20, v18;
	v3 =	vmul.f32 v21, v19  }
.LBB2_6:
0x69: {  	v14 =	vld [tilespmem:s29+$0x30];
	s28 =	sadd.s32 $0x7, s28;
	v5 =	vmul.f32 v5, v9  }
0x6a: {  	v8 =	vmul.f32 v10, v8;
	v9 =	vld [tilespmem:s29+$0xFFFFFFE0];
	p1 =	slt.u32 s28, $0x31  }
0x6b: {  	v10 =	vld [tilespmem:s29+$0xFFFFFFF0]  }
0x6c: {  	v6 =	vadd.f32 v6, v11;
	v15 =	vld [tilespmem:s29+$0x0]  }
0x6d: {  	v4 =	vadd.f32 v4, v13;
	v11 =	vld [tilespmem:s29+$0x10]  }
0x6e: {  	v13 =	vld [tilespmem:s29+$0x20];
	v14 =	vand.u32 $0x3F, v14;
	[tilespmem:s26+$0xFFFFFFD0] =	vst v6;
	v6 =	vadd.f32 v7, v12  }
0x6f: {  	v7 =	vld [tilespmem:s29+$0xFFFFFFD0];
	v9 =	vand.u32 $0x3F, v9;
	[tilespmem:s26+$0xFFFFFFE0] =	vst v4  }
0x70: {  	v4 =	vand.u32 $0x3F, v10;
	[tilespmem:s26+$0xFFFFFFF0] =	vst v6;
	v0 =	vld.idx.msk [tilespmem:v0+s16+$0x0], $0xffff  }
0x71: {  	v6 =	vand.u32 $0x3F, v15;
	v1 =	vld.idx.msk [tilespmem:v1+s16+$0x0], $0xffff  }
0x72: {  	v10 =	vand.u32 $0x3F, v11;
	v2 =	vld.idx.msk [tilespmem:v2+s16+$0x0], $0xffff  }
0x73: {  	s24 =	sadd.s32 $0x70, s24;
	v11 =	vand.u32 $0x3F, v13;
	v12 =	vld.idx.msk [tilespmem:v14+s15+$0x0], $0xffff  }
0x74: {  	v7 =	vand.u32 $0x3F, v7;
	v13 =	vld [tilespmem:s24+$0x30]  }
0x75: {  	v9 =	vld.idx.msk [tilespmem:v9+s15+$0x0], $0xffff  }
0x76: {  	v0 =	vadd.f32 v3, v0;
	v4 =	vld.idx.msk [tilespmem:v4+s15+$0x0], $0xffff  }
0x77: {  	v1 =	vadd.f32 v5, v1;
	v3 =	vld.idx.msk [tilespmem:v6+s15+$0x0], $0xffff  }
0x78: {  	v5 =	vld.idx.msk [tilespmem:v10+s15+$0x0], $0xffff;
	[tilespmem:s26+$0x0] =	vst v0;
	v0 =	vadd.f32 v8, v2  }
0x79: {  	v2 =	vld.idx.msk [tilespmem:v7+s15+$0x0], $0xffff;
	v6 =	vand.u32 $0xF, v13;
	v7 =	vshll.u32 v12, $0x7;
	[tilespmem:s26+$0x10] =	vst v1  }
0x7a: {  	v1 =	vld.idx.msk [tilespmem:v11+s15+$0x0], $0xffff;
	v6 =	vor.u32 v6, v7;
	[tilespmem:s26+$0x20] =	vst v0  }
0x7b: {  	v7 =	vshll.u32 v9, $0x7;
	v0 =	vld [tilespmem:s24+$0xFFFFFFD0]  }
0x7c: {  	v4 =	vshll.u32 v4, $0x7;
	v8 =	vld [tilespmem:s24+$0xFFFFFFE0]  }
0x7d: {  	v3 =	vshll.u32 v3, $0x7;
	v9 =	vld [tilespmem:s24+$0xFFFFFFF0]  }
0x7e: {  	v5 =	vshll.u32 v5, $0x7;
	v10 =	vld [tilespmem:s24+$0x0]  }
0x7f: {  	s25 =	sadd.s32 $0x70, s25;
	v2 =	vshll.u32 v2, $0x7;
	v11 =	vld.idx.msk [tilespmem:v6+s17+$0x0], $0xffff  }
0x80: {  	v12 =	vshll.u32 v1, $0x7;
	v0 =	vand.u32 $0xF, v0;
	v1 =	vld [tilespmem:s25+$0x30]  }
0x81: {  	v13 =	vor.u32 v0, v2;
	v0 =	vand.u32 $0xF, v8;
	v2 =	vld.idx.msk [tilespmem:v6+s16+$0x0], $0xffff  }
0x82: {  	v14 =	vor.u32 v0, v7;
	v0 =	vand.u32 $0xF, v9;
	v6 =	vld [tilespmem:s24+$0x10]  }
0x83: {  	v15 =	vor.u32 v0, v4;
	v0 =	vand.u32 $0xF, v10;
	v4 =	vld [tilespmem:s24+$0x20]  }
0x84: {  	v7 =	vld [tilespmem:s25+$0xFFFFFFD0];
	v0 =	vor.u32 v0, v3  }
0x85: {  	v3 =	vld [tilespmem:s25+$0xFFFFFFE0];
	v1 =	vmul.f32 v1, v11  }
0x86: {  	v8 =	vld.idx.msk [tilespmem:v13+s17+$0x0], $0xffff  }
0x87: {  	v9 =	vld.idx.msk [tilespmem:v14+s17+$0x0], $0xffff;
	v6 =	vand.u32 $0xF, v6;
	v10 =	vadd.f32 v1, v2  }
0x88: {  	s26 =	sadd.s32 $0x70, s26;
	v11 =	vld.idx.msk [tilespmem:v15+s17+$0x0], $0xffff;
	v1 =	vor.u32 v6, v5;
	v2 =	vand.u32 $0xF, v4  }
0x89: {  	v16 =	vld.idx.msk [tilespmem:v0+s17+$0x0], $0xffff;
	v2 =	vor.u32 v2, v12;
	[tilespmem:s26+$0x30] =	vst v10  }
0x8a: {  	v10 =	vld [tilespmem:s25+$0xFFFFFFF0]  }
0x8b: {  	v12 =	vld [tilespmem:s25+$0x0]  }
0x8c: {  	v6 =	vmul.f32 v7, v8;
	v5 =	vld [tilespmem:s25+$0x10]  }
0x8d: {  	v4 =	vmul.f32 v3, v9;
	v9 =	vld.idx.msk [tilespmem:v1+s17+$0x0], $0xffff  }
.Ltmp3:
0x8e: {  	v8 =	vld.idx.msk [tilespmem:v2+s17+$0x0], $0xffff;
	(pc) =	sbr.rel @p1 .LBB2_6-.Ltmp3, $4  }
0x8f: {  	v7 =	vmul.f32 v10, v11;
	v10 =	vld [tilespmem:s25+$0x20]  }
0x90: {  	v11 =	vld.idx.msk [tilespmem:v13+s16+$0x0], $0xffff;
	v3 =	vmul.f32 v12, v16  }
0x91: {  	v13 =	vld.idx.msk [tilespmem:v14+s16+$0x0], $0xffff  }
0x92: {  	s29 =	sadd.s32 $0x70, s29;
	v12 =	vld.idx.msk [tilespmem:v15+s16+$0x0], $0xffff  }
.Ltmp4:
0x93: {  	_ = 	snop;
	(pc) =	sbr.rel .LBB2_7-.Ltmp4, $1  }
0x94: {  	_ =	sdelay $0x3  }
.LBB2_2:
0x95: {  	s24 =	simm.s32 $0x0  }
0x96: {  	[tilespmem:s24], [sflag:$0x1] =	stream.linear.gather [hbm4b:s6+s24], $0xC80, $0x38;
	[tilespmem:$0x3680] =	vst v63  }
0x97: {  	_ = 	snop  }
0x98: {  	[tilespmem:s18], [sflag:$0x1] =	stream.linear.gather [hbm4b:s7+s24], $0xC80, $0x38;
	[tilespmem:$0x3680] =	vst v63  }
0x99: {  	_ = 	snop  }
0x9a: {  	[tilespmem:s19], [sflag:$0x1] =	stream.linear.gather [hbm4b:s8+s24], $0xC80, $0x38;
	[tilespmem:$0x3680] =	vst v63  }
0x9b: {  	_ =	swait.ge [sflag:s20], $0x80  }
0x9c: {  	[sflag:s20] =	ssyncset.done $0x0  }
0x9d: {  	[sflag:s20] =	ssyncadd.s32 $0xFFFFFF80  }
0x9e: {  	_ =	swait.ge [sflag:s20], $0x200  }
0x9f: {  	[sflag:s20] =	ssyncset.done $0x0  }
0xa0: {  	[sflag:s20] =	ssyncadd.s32 $0xFFFFFE00  }
0xa1: {  	_ =	swait.ge [sflag:s20], $0x200  }
0xa2: {  	[sflag:s20] =	ssyncset.done $0x0  }
0xa3: {  	[sflag:s20] =	ssyncadd.s32 $0xFFFFFE00  }
0xa4: {  	_ =	swait.ge [sflag:s20], $0xC80  }
0xa5: {  	[sflag:s20] =	ssyncset.done $0x0  }
0xa6: {  	[sflag:s20] =	ssyncadd.s32 $0xFFFFF380  }
0xa7: {  	_ =	swait.ge [sflag:s20], $0xC80  }
0xa8: {  	[sflag:s20] =	ssyncset.done $0x0  }
0xa9: {  	[sflag:s20] =	ssyncadd.s32 $0xFFFFF380  }
0xaa: {  	_ =	swait.ge [sflag:s20], $0xC80  }
0xab: {  	[sflag:s20] =	ssyncset.done $0x0  }
0xac: {  	s3 =	simm.s32 $0xCD0;
	[sflag:s20] =	ssyncadd.s32 $0xFFFFF380  }
0xad: {  	v0 =	vld [tilespmem:s3+$0x40]  }
0xae: {  	s29 =	sand.u32 $0xFE0, s24;
	v1 =	vld [tilespmem:s3+$0xFFFFFFC0]  }
0xaf: {  	v2 =	vld [tilespmem:s29+$0xD00]  }
0xb0: {  	v3 =	vld [tilespmem:s3+$0xFFFFFFD0]  }
0xb1: {  	v4 =	vld [tilespmem:s3+$0xFFFFFFE0]  }
0xb2: {  	v5 =	vld [tilespmem:s3+$0xFFFFFFF0]  }
0xb3: {  	v6 =	vld [tilespmem:s3+$0x0]  }
0xb4: {  	s25 =	simm.s32 $0x1950;
	v7 =	vld [tilespmem:s3+$0x10]  }
0xb5: {  	v8 =	vld [tilespmem:s25+$0x40]  }
0xb6: {  	v9 =	vld [tilespmem:s29+$0x1980]  }
0xb7: {  	v10 =	vld [tilespmem:s3+$0x20]  }
0xb8: {  	v11 =	vld [tilespmem:s3+$0xFFFFFFB0]  }
0xb9: {  	v15 =	vld [tilespmem:s29+$0x80]  }
0xba: {  	v14 =	vld [tilespmem:s25+$0xFFFFFFC0]  }
0xbb: {  	v16 =	vld [tilespmem:s25+$0xFFFFFFD0]  }
0xbc: {  	v17 =	vld [tilespmem:s25+$0xFFFFFFE0]  }
0xbd: {  	v18 =	vld [tilespmem:s25+$0xFFFFFFF0]  }
0xbe: {  	v19 =	vld [tilespmem:s25+$0x0]  }
0xbf: {  	v20 =	vld [tilespmem:s25+$0x10]  }
0xc0: {  	v22 =	vld [tilespmem:s25+$0x20]  }
0xc1: {  	s26 =	simm.s32 $0x50;
	v0 =	vld.idx.msk [tilespmem:v0+s15+$0x0], $0xffff  }
0xc2: {  	v23 =	vld [tilespmem:s26+$0xFFFFFFB0]  }
0xc3: {  	v24 =	vld [tilespmem:s26+$0xFFFFFFC0]  }
0xc4: {  	v25 =	vld [tilespmem:s26+$0xFFFFFFD0]  }
0xc5: {  	v2 =	vld.idx.msk [tilespmem:v2+s15+$0x0], $0xffff  }
0xc6: {  	v12 =	vand.u32 $0xFFFFFF80, v8;
	v1 =	vld.idx.msk [tilespmem:v1+s15+$0x0], $0xffff;
	v0 =	vshll.u32 v0, $0x7  }
0xc7: {  	v8 =	vand.u32 $0x7F, v8;
	v3 =	vld.idx.msk [tilespmem:v3+s15+$0x0], $0xffff;
	v0 =	vadd.s32 v12, v0  }
0xc8: {  	v4 =	vld.idx.msk [tilespmem:v4+s15+$0x0], $0xffff;
	v0 =	vor.u32 v8, v0  }
0xc9: {  	v5 =	vld.idx.msk [tilespmem:v5+s15+$0x0], $0xffff  }
0xca: {  	v6 =	vld.idx.msk [tilespmem:v6+s15+$0x0], $0xffff  }
0xcb: {  	v7 =	vld.idx.msk [tilespmem:v7+s15+$0x0], $0xffff  }
0xcc: {  	v57 =	vand.u32 $0xFFFFFF80, v14;
	v10 =	vld.idx.msk [tilespmem:v10+s15+$0x0], $0xffff  }
0xcd: {  	v2 =	vshll.u32 v2, $0x7;
	v12 =	vand.u32 $0xFFFFFF80, v9;
	v8 =	vand.u32 $0x7F, v9;
	v9 =	vld.idx.msk [tilespmem:v0+s16+$0x0], $0xffff  }
0xce: {  	v14 =	vand.u32 $0x7F, v14;
	v58 =	vand.u32 $0xFFFFFF80, v16;
	v2 =	vadd.s32 v12, v2;
	v12 =	vld.idx.msk [tilespmem:v0+s17+$0x0], $0xffff  }
0xcf: {  	v16 =	vand.u32 $0x7F, v16;
	v59 =	vand.u32 $0xFFFFFF80, v17;
	v17 =	vand.u32 $0x7F, v17;
	v0 =	vld.idx.msk [tilespmem:v11+s15+$0x0], $0xffff  }
0xd0: {  	v1 =	vshll.u32 v1, $0x7;
	v3 =	vshll.u32 v3, $0x7;
	v4 =	vshll.u32 v4, $0x7;
	v11 =	vld [tilespmem:s25+$0xFFFFFFB0]  }
0xd1: {  	v60 =	vld [tilespmem:s26+$0xFFFFFFE0];
	v5 =	vshll.u32 v5, $0x7;
	v6 =	vshll.u32 v6, $0x7;
	v4 =	vadd.s32 v59, v4  }
0xd2: {  	v26 =	vld [tilespmem:s26+$0xFFFFFFF0];
	v7 =	vshll.u32 v7, $0x7;
	v10 =	vshll.u32 v10, $0x7;
	v4 =	vor.u32 v17, v4  }
0xd3: {  	v28 =	vld [tilespmem:s26+$0x0];
	v1 =	vadd.s32 v57, v1;
	v3 =	vadd.s32 v58, v3;
	v2 =	vor.u32 v8, v2  }
0xd4: {  	v61 =	vld [tilespmem:s26+$0x20];
	v27 =	vor.u32 v14, v1;
	v1 =	vand.u32 $0xFFFFFF80, v19;
	v3 =	vor.u32 v16, v3  }
0xd5: {  	v16 =	vld [tilespmem:s26+$0x10];
	v14 =	vand.u32 $0x7F, v20;
	v0 =	vshll.u32 v0, $0x7;
	v21 =	vand.u32 $0xFFFFFF80, v11  }
0xd6: {  	v8 =	vld [tilespmem:s26+$0x40];
	v1 =	vadd.s32 v1, v6;
	v11 =	vand.u32 $0x7F, v11;
	v0 =	vadd.s32 v21, v0  }
0xd7: {  	v6 =	vand.u32 $0xFFFFFF80, v20;
	v62 =	vld.idx.msk [tilespmem:v4+s17+$0x0], $0xffff;
	v11 =	vor.u32 v11, v0;
	v0 =	vand.u32 $0xFFFFFF80, v18  }
0xd8: {  	v13 =	vld.idx.msk [tilespmem:v2+s17+$0x0], $0xffff;
	v18 =	vand.u32 $0x7F, v18;
	v0 =	vadd.s32 v0, v5;
	v5 =	vand.u32 $0x7F, v19  }
0xd9: {  	v2 =	vld.idx.msk [tilespmem:v2+s16+$0x0], $0xffff;
	v17 =	vor.u32 v18, v0;
	v0 =	vadd.s32 v6, v7;
	v6 =	vand.u32 $0xFFFFFF80, v22  }
0xda: {  	v19 =	vor.u32 v5, v1;
	v7 =	vand.u32 $0x7F, v22;
	v6 =	vadd.s32 v6, v10;
	v10 =	vld.idx.msk [tilespmem:v27+s17+$0x0], $0xffff  }
0xdb: {  	v1 =	vor.u32 v14, v0;
	v0 =	vor.u32 v7, v6;
	v6 =	vld.idx.msk [tilespmem:v3+s17+$0x0], $0xffff  }
0xdc: {  	v7 =	vmul.f32 v8, v12;
	v12 =	vld.idx.msk [tilespmem:v4+s16+$0x0], $0xffff  }
0xdd: {  	v5 =	vld.idx.msk [tilespmem:v11+s17+$0x0], $0xffff  }
0xde: {  	v63 =	vld.idx.msk [tilespmem:v17+s17+$0x0], $0xffff  }
0xdf: {  	v29 =	vld.idx.msk [tilespmem:v19+s17+$0x0], $0xffff  }
0xe0: {  	v30 =	vld.idx.msk [tilespmem:v1+s17+$0x0], $0xffff  }
0xe1: {  	v8 =	vmul.f32 v15, v13;
	v31 =	vld.idx.msk [tilespmem:v0+s17+$0x0], $0xffff  }
0xe2: {  	v14 =	vld.idx.msk [tilespmem:v11+s16+$0x0], $0xffff;
	v13 =	vadd.f32 v7, v9  }
0xe3: {  	v11 =	vld.idx.msk [tilespmem:v27+s16+$0x0], $0xffff;
	v2 =	vadd.f32 v8, v2;
	v7 =	vmul.f32 v24, v10;
	v8 =	vmul.f32 v25, v6  }
0xe4: {  	s28 =	simm.s32 $0x25D0;
	v10 =	vld.idx.msk [tilespmem:v3+s16+$0x0], $0xffff;
	v9 =	vmul.f32 v23, v5;
	v5 =	vmul.f32 v60, v62  }
0xe5: {  	v15 =	vld.idx.msk [tilespmem:v19+s16+$0x0], $0xffff;
	[tilespmem:s28+$0x40] =	vst v13;
	v6 =	vmul.f32 v26, v63;
	v4 =	vmul.f32 v28, v29  }
0xe6: {  	s30 =	simm.s32 $0x0;
	s31 =	simm.s32 $0xD70;
	v13 =	vld.idx.msk [tilespmem:v17+s16+$0x0], $0xffff;
	[tilespmem:s29+$0x2600] =	vst v2;
	s29 =	simm.s32 $0x25D0;
	v2 =	vmul.f32 v16, v30;
	v3 =	vmul.f32 v61, v31  }
.LBB2_3:
0xe7: {  	v16 =	vld [tilespmem:s31+$0x40];
	v9 =	vadd.f32 v9, v14;
	s24 =	sadd.s32 $0xA0, s24  }
0xe8: {  	s30 =	sadd.s32 $0xA, s30;
	v7 =	vadd.f32 v7, v11;
	v14 =	vld [tilespmem:s31+$0xFFFFFFC0];
	s3 =	sand.u32 $0xFE0, s24  }
0xe9: {  	p1 =	slt.u32 s30, $0xBE;
	v8 =	vadd.f32 v8, v10;
	v11 =	vld [tilespmem:s3+$0xD00];
	[tilespmem:s28+$0xFFFFFFB0] =	vst v9  }
0xea: {  	v5 =	vadd.f32 v5, v12;
	v9 =	vld [tilespmem:s31+$0xFFFFFFD0];
	[tilespmem:s28+$0xFFFFFFC0] =	vst v7  }
0xeb: {  	v6 =	vadd.f32 v6, v13;
	v7 =	vld [tilespmem:s31+$0xFFFFFFE0];
	[tilespmem:s28+$0xFFFFFFD0] =	vst v8  }
0xec: {  	v4 =	vadd.f32 v4, v15;
	v8 =	vld [tilespmem:s31+$0xFFFFFFF0];
	[tilespmem:s28+$0xFFFFFFE0] =	vst v5  }
0xed: {  	v5 =	vld [tilespmem:s31+$0x0];
	[tilespmem:s28+$0xFFFFFFF0] =	vst v6  }
0xee: {  	v6 =	vld [tilespmem:s31+$0x10];
	[tilespmem:s28+$0x0] =	vst v4  }
0xef: {  	s25 =	sadd.s32 $0xA0, s25;
	v4 =	vld.idx.msk [tilespmem:v16+s15+$0x0], $0xffff  }
0xf0: {  	v10 =	vld [tilespmem:s25+$0x40]  }
0xf1: {  	v11 =	vld.idx.msk [tilespmem:v11+s15+$0x0], $0xffff  }
0xf2: {  	v12 =	vld [tilespmem:s3+$0x1980]  }
0xf3: {  	v13 =	vld [tilespmem:s31+$0x20]  }
0xf4: {  	v15 =	vld [tilespmem:s31+$0xFFFFFFB0]  }
0xf5: {  	v4 =	vshll.u32 v4, $0x7;
	v14 =	vld.idx.msk [tilespmem:v14+s15+$0x0], $0xffff;
	v16 =	vand.u32 $0xFFFFFF80, v10  }
0xf6: {  	v10 =	vand.u32 $0x7F, v10;
	v9 =	vld.idx.msk [tilespmem:v9+s15+$0x0], $0xffff;
	v4 =	vadd.s32 v16, v4  }
0xf7: {  	v11 =	vshll.u32 v11, $0x7;
	v7 =	vld.idx.msk [tilespmem:v7+s15+$0x0], $0xffff;
	v16 =	vand.u32 $0xFFFFFF80, v12;
	v4 =	vor.u32 v10, v4  }
0xf8: {  	v10 =	vand.u32 $0x7F, v12;
	v8 =	vld.idx.msk [tilespmem:v8+s15+$0x0], $0xffff;
	v11 =	vadd.s32 v16, v11  }
0xf9: {  	v5 =	vld.idx.msk [tilespmem:v5+s15+$0x0], $0xffff;
	v10 =	vor.u32 v10, v11  }
0xfa: {  	s26 =	sadd.s32 $0xA0, s26;
	v6 =	vld.idx.msk [tilespmem:v6+s15+$0x0], $0xffff  }
0xfb: {  	v11 =	vshll.u32 v14, $0x7;
	v12 =	vld [tilespmem:s26+$0x40]  }
0xfc: {  	v9 =	vshll.u32 v9, $0x7;
	v14 =	vld.idx.msk [tilespmem:v4+s16+$0x0], $0xffff  }
0xfd: {  	v7 =	vshll.u32 v7, $0x7;
	v4 =	vld.idx.msk [tilespmem:v4+s17+$0x0], $0xffff  }
0xfe: {  	v8 =	vshll.u32 v8, $0x7;
	v16 =	vld.idx.msk [tilespmem:v10+s17+$0x0], $0xffff  }
0xff: {  	v5 =	vshll.u32 v5, $0x7;
	v17 =	vld [tilespmem:s3+$0x80]  }
0x100: {  	v6 =	vshll.u32 v6, $0x7;
	v10 =	vld.idx.msk [tilespmem:v10+s16+$0x0], $0xffff  }
0x101: {  	v15 =	vld.idx.msk [tilespmem:v15+s15+$0x0], $0xffff  }
0x102: {  	v13 =	vld.idx.msk [tilespmem:v13+s15+$0x0], $0xffff  }
0x103: {  	v4 =	vmul.f32 v12, v4;
	v18 =	vld [tilespmem:s25+$0xFFFFFFB0]  }
0x104: {  	v12 =	vld [tilespmem:s25+$0xFFFFFFC0];
	v16 =	vmul.f32 v17, v16  }
0x105: {  	v4 =	vadd.f32 v4, v14;
	v17 =	vld [tilespmem:s25+$0xFFFFFFD0]  }
0x106: {  	s28 =	sadd.s32 $0xA0, s28;
	v14 =	vld [tilespmem:s25+$0xFFFFFFE0];
	v10 =	vadd.f32 v16, v10  }
0x107: {  	v15 =	vshll.u32 v15, $0x7;
	v16 =	vld [tilespmem:s25+$0xFFFFFFF0];
	[tilespmem:s28+$0x40] =	vst v4  }
0x108: {  	v13 =	vshll.u32 v13, $0x7;
	v4 =	vand.u32 $0xFFFFFF80, v18;
	v18 =	vand.u32 $0x7F, v18;
	v19 =	vld [tilespmem:s25+$0x0];
	[tilespmem:s3+$0x2600] =	vst v10  }
0x109: {  	v4 =	vadd.s32 v4, v15;
	v10 =	vand.u32 $0xFFFFFF80, v12;
	v12 =	vand.u32 $0x7F, v12;
	v15 =	vld [tilespmem:s25+$0x10]  }
0x10a: {  	v10 =	vadd.s32 v10, v11;
	v11 =	vand.u32 $0xFFFFFF80, v17;
	v17 =	vand.u32 $0x7F, v17;
	v20 =	vld [tilespmem:s25+$0x20]  }
0x10b: {  	v21 =	vld [tilespmem:s26+$0xFFFFFFB0];
	v9 =	vadd.s32 v11, v9;
	v11 =	vand.u32 $0xFFFFFF80, v14;
	v14 =	vand.u32 $0x7F, v14  }
0x10c: {  	v22 =	vld [tilespmem:s26+$0xFFFFFFC0];
	v7 =	vadd.s32 v11, v7;
	v11 =	vand.u32 $0xFFFFFF80, v16;
	v16 =	vand.u32 $0x7F, v16  }
0x10d: {  	v23 =	vld [tilespmem:s26+$0xFFFFFFD0];
	v8 =	vadd.s32 v11, v8;
	v11 =	vand.u32 $0xFFFFFF80, v19;
	v19 =	vand.u32 $0x7F, v19  }
0x10e: {  	v24 =	vld [tilespmem:s26+$0xFFFFFFE0];
	v5 =	vadd.s32 v11, v5;
	v11 =	vand.u32 $0xFFFFFF80, v15;
	v15 =	vand.u32 $0x7F, v15  }
0x10f: {  	v25 =	vld [tilespmem:s26+$0xFFFFFFF0];
	v6 =	vadd.s32 v11, v6;
	v11 =	vand.u32 $0xFFFFFF80, v20;
	v20 =	vand.u32 $0x7F, v20  }
0x110: {  	v4 =	vor.u32 v18, v4;
	v10 =	vor.u32 v12, v10;
	v18 =	vld [tilespmem:s26+$0x0];
	v11 =	vadd.s32 v11, v13  }
0x111: {  	v12 =	vor.u32 v17, v9;
	v16 =	vor.u32 v16, v8;
	v13 =	vor.u32 v14, v7;
	v17 =	vld [tilespmem:s26+$0x10]  }
0x112: {  	v19 =	vor.u32 v19, v5;
	v5 =	vor.u32 v15, v6;
	v6 =	vor.u32 v20, v11;
	v20 =	vld [tilespmem:s26+$0x20]  }
0x113: {  	v7 =	vld.idx.msk [tilespmem:v1+s16+$0x0], $0xffff;
	v1 =	vmov v5  }
0x114: {  	v5 =	vld.idx.msk [tilespmem:v0+s16+$0x0], $0xffff;
	v0 =	vmov v6  }
0x115: {  	v6 =	vld.idx.msk [tilespmem:v4+s17+$0x0], $0xffff  }
0x116: {  	v8 =	vld.idx.msk [tilespmem:v10+s17+$0x0], $0xffff  }
0x117: {  	v11 =	vld.idx.msk [tilespmem:v12+s17+$0x0], $0xffff  }
0x118: {  	v15 =	vld.idx.msk [tilespmem:v13+s17+$0x0], $0xffff  }
0x119: {  	v2 =	vadd.f32 v2, v7;
	v26 =	vld.idx.msk [tilespmem:v16+s17+$0x0], $0xffff  }
0x11a: {  	v3 =	vadd.f32 v3, v5;
	v27 =	vld.idx.msk [tilespmem:v19+s17+$0x0], $0xffff  }
0x11b: {  	v9 =	vmul.f32 v21, v6;
	v21 =	vld.idx.msk [tilespmem:v1+s17+$0x0], $0xffff;
	[tilespmem:s29+$0x10] =	vst v2  }
0x11c: {  	v7 =	vmul.f32 v22, v8;
	v22 =	vld.idx.msk [tilespmem:v0+s17+$0x0], $0xffff;
	[tilespmem:s29+$0x20] =	vst v3;
	s29 =	smov.u32 s28  }
0x11d: {  	v8 =	vmul.f32 v23, v11;
	v14 =	vld.idx.msk [tilespmem:v4+s16+$0x0], $0xffff  }
.Ltmp5:
0x11e: {  	v5 =	vmul.f32 v24, v15;
	v11 =	vld.idx.msk [tilespmem:v10+s16+$0x0], $0xffff;
	(pc) =	sbr.rel @p1 .LBB2_3-.Ltmp5, $4  }
0x11f: {  	v6 =	vmul.f32 v25, v26;
	v10 =	vld.idx.msk [tilespmem:v12+s16+$0x0], $0xffff  }
0x120: {  	v4 =	vmul.f32 v18, v27;
	v12 =	vld.idx.msk [tilespmem:v13+s16+$0x0], $0xffff  }
0x121: {  	v2 =	vmul.f32 v17, v21;
	v13 =	vld.idx.msk [tilespmem:v16+s16+$0x0], $0xffff  }
0x122: {  	s31 =	sadd.s32 $0xA0, s31;
	v3 =	vmul.f32 v20, v22;
	v15 =	vld.idx.msk [tilespmem:v19+s16+$0x0], $0xffff  }
0x123: {  	_ =	sdelay $0x2  }
0x124: {  	v9 =	vadd.f32 v9, v14  }
0x125: {  	v7 =	vadd.f32 v7, v11;
	v1 =	vld.idx.msk [tilespmem:v1+s16+$0x0], $0xffff  }
0x126: {  	v0 =	vld.idx.msk [tilespmem:v0+s16+$0x0], $0xffff;
	v8 =	vadd.f32 v8, v10;
	[tilespmem:s28+$0xFFFFFFB0] =	vst v9  }
0x127: {  	[tilespmem:s28+$0xFFFFFFC0] =	vst v7;
	v5 =	vadd.f32 v5, v12  }
0x128: {  	[tilespmem:s28+$0xFFFFFFD0] =	vst v8;
	v6 =	vadd.f32 v6, v13  }
0x129: {  	[tilespmem:s28+$0xFFFFFFE0] =	vst v5;
	v4 =	vadd.f32 v4, v15  }
0x12a: {  	[tilespmem:s28+$0xFFFFFFF0] =	vst v6;
	v1 =	vadd.f32 v2, v1  }
0x12b: {  	v0 =	vadd.f32 v3, v0;
	[tilespmem:s28+$0x0] =	vst v4  }
0x12c: {  	[tilespmem:s29+$0x10] =	vst v1  }
.Ltmp6:
0x12d: {  	[tilespmem:s29+$0x20] =	vst v0;
	(pc) =	sbr.rel .LBB2_8-.Ltmp6, $4  }
0x12e: {  	[hbm4b:s9+s5] =	stream.linear.scatter [tilespmem:s21], [sflag:$0x2], $0xC80, $0x38;
	[tilespmem:$0x3680] =	vst v63  }
0x12f: {  	_ =	swait.ge [sflag:s22], $0xC80  }
0x130: {  	[sflag:s22] =	ssyncset.done $0x0  }
0x131: {  	[sflag:s22] =	ssyncadd.s32 $0xFFFFF380  }
.LBB2_9:
0x132: {  	_ =	sfence.sel $0x180000  }
0x133: {  	[bflag:$0x0] =	sbarrier.arrive $0xFFFF  }
0x134: {  	_ =	strace $0x90000047  }
0x135: {  	[bflag:$0x2] =	sbarrier.arrive $0xFFFF  }
0x136: {  	p0 =	sne.s32 s1, $0x0;
	s0 =	rddreg [dreg:$0x7]  }
0x137: {  	s0 =	sadd.s32 @!p0 $0x100000, s0  }
0x138: {  	[sflag:s0] =	ssyncadd.tile.s32 @!p0 $0x1;
	_ =	shalt  }
.Lfunc_end2:
_tile_overlayer_lowered:
.L_overlay_start_2:
0x139: {  	(tag) =	ssettag $0x2  }
0x13a: {  	s0 =	rddreg [dreg:$0x0];
	s2 =	stileid.u32  }
0x13b: {  	s1 =	rddreg [dreg:$0x1];
	p0 =	sne.s32 s2, $0x0  }
0x13c: {  	s3 =	rddreg [dreg:$0x2];
	[bflag:$0x3] =	sbarrier.arrive $0xFFFF;
	s2 =	simm.s32 @!p0 $0x1C02  }
0x13d: {  	[timem:s3], [sflag:s2] =	dma.local @!p0 [hbm:s0], s1  }
0x13e: {  	s0 =	simm.s32 @!p0 $0x2  }
0x13f: {  	_ =	swait.ge @!p0 [sflag:s0], s1  }
0x140: {  	s1 =	ssub.s32 @!p0 $0x0, s1;
	[sflag:s0] =	ssyncset.done @!p0 $0x0  }
0x141: {  	[sflag:s0] =	ssyncadd.s32 @!p0 s1  }
0x142: {  	[bflag:$0x3] =	sbarrier.arrive $0xFFFF  }
0x143: {  	_ =	shalt  }

</sc_bundles>
